<compile_context>
chip_gen: v7x
topology: tpu7x:2x2x1
jax: 0.10.2.dev20260603
libtpu: 0.0.44.dev20260713+nightly
codegen_flags: <defaults>
</compile_context>

<pallas_src>
import jax
import jax.numpy as jnp
import numpy as np
from jax import lax
from jax.experimental import pallas as pl

IOU_T = 0.5
CONF_T = 0.05
MAX_DET = 100
PRE_NMS = 1000
NMS_PAD = 1024
N_ANCH = 49104
N_ANCH_PAD = 49152
N_IMG = 8
BLK_A = 1024

NEG_INF = float("-inf")


def _make_anchors_np(h, w):
    aspect_ratios = [0.5, 1.0, 2.0]
    scales = [2.0 ** x for x in [0.0, 1.0 / 3.0, 2.0 / 3.0]]
    all_a = []
    for i in range(3, 8):
        area = float((2 ** (i + 2)) ** 2)
        stride = float(2 ** i)
        dims = []
        for r in aspect_ratios:
            ah = np.sqrt(area / r)
            aw = area / ah
            for s in scales:
                dims.append([aw * s, ah * s])
        dims = np.array(dims, np.float32)
        fh = int(np.ceil(h / stride))
        fw = int(np.ceil(w / stride))
        rx = (np.arange(fw, dtype=np.float32) + 0.5) * stride
        ry = (np.arange(fh, dtype=np.float32) + 0.5) * stride
        cx, cy = np.meshgrid(rx, ry)
        centers = np.stack([cx, cy], -1)
        centers = np.tile(centers[:, :, None, :], (1, 1, 9, 1))
        d = np.tile(dims[None, None, :, :], (fh, fw, 1, 1))
        all_a.append(np.concatenate([centers, d], -1).reshape(-1, 4))
    return np.concatenate(all_a, 0)


def _reduce_body(pred_ref, m_ref, c_ref):
    j = pl.program_id(0)
    x = pred_ref[...]
    sg = jax.nn.sigmoid(x)
    li = jax.lax.broadcasted_iota(jnp.int32, x.shape, 2)
    is_cls = li >= 4
    sgm = jnp.where(is_cls, sg, -1.0)
    m = jnp.max(sgm, axis=-1)
    eq = sgm == m[..., None]
    idx = jnp.min(jnp.where(eq, li, 127), axis=-1)
    cls_f = (idx - 4).astype(jnp.float32)
    ga = j * BLK_A + jax.lax.broadcasted_iota(jnp.int32, m.shape, 1)
    valid = ga < N_ANCH
    m_ref[...] = jnp.where(valid, m, NEG_INF)
    c_ref[...] = jnp.where(valid, cls_f, -1.0)


def _reduce_logits(predictions):
    return pl.pallas_call(
        _reduce_body,
        grid=(N_ANCH_PAD // BLK_A,),
        in_specs=[pl.BlockSpec((N_IMG, BLK_A, 84), lambda j: (0, j, 0))],
        out_specs=[
            pl.BlockSpec((N_IMG, BLK_A), lambda j: (0, j)),
            pl.BlockSpec((N_IMG, BLK_A), lambda j: (0, j)),
        ],
        out_shape=[
            jax.ShapeDtypeStruct((N_IMG, N_ANCH_PAD), jnp.float32),
            jax.ShapeDtypeStruct((N_IMG, N_ANCH_PAD), jnp.float32),
        ],
    )(predictions)



_SENT = N_ANCH_PAD - 1


def _thresh_body(m_ref, cs_ref):
    u = lax.bitcast_convert_type(m_ref[...], jnp.int32)

    def body(i, carry):
        lo, hi = carry
        mid = lax.shift_right_arithmetic(lo + hi + 1, 1)
        cnt = jnp.sum((u > mid).astype(jnp.int32), axis=(1, 2), keepdims=True)
        big = cnt >= PRE_NMS
        return jnp.where(big, mid, lo), jnp.where(big, hi, mid)

    lo0 = jnp.full((N_IMG, 1, 1), -1, jnp.int32)
    hi0 = jnp.full((N_IMG, 1, 1), 0x3F800000, jnp.int32)
    _, v = lax.fori_loop(0, 31, body, (lo0, hi0))
    n_gt = jnp.sum((u > v).astype(jnp.int32), axis=(1, 2), keepdims=True)
    k_take = PRE_NMS - n_gt

    li = lax.broadcasted_iota(jnp.int32, (128, 128), 0)
    mi = lax.broadcasted_iota(jnp.int32, (128, 128), 1)
    tri_incl = (li <= mi).astype(jnp.float32)
    ci = lax.broadcasted_iota(jnp.int32, (384, 384), 0)
    di = lax.broadcasted_iota(jnp.int32, (384, 384), 1)
    tri_excl = (ci < di).astype(jnp.float32)

    def hier_cumsum(mask_f32):
        within = jax.lax.dot_general(
            mask_f32, tri_incl, (((2,), (0,)), ((), ())),
            preferred_element_type=jnp.float32)
        sums = within[:, :, 127]
        prefix = jax.lax.dot_general(
            sums, tri_excl, (((1,), (0,)), ((), ())),
            preferred_element_type=jnp.float32)
        return within + prefix[:, :, None]

    sel_eq = u == v
    eqrank = hier_cumsum(sel_eq.astype(jnp.float32))
    selected = (u > v) | (sel_eq & (eqrank <= k_take.astype(jnp.float32)))
    cs = hier_cumsum(selected.astype(jnp.float32))
    cs_ref[...] = cs.astype(jnp.int32)


def _threshold(m):
    m3 = m.reshape(N_IMG, N_ANCH_PAD // 128, 128)
    cs = pl.pallas_call(
        _thresh_body,
        out_shape=jax.ShapeDtypeStruct((N_IMG, N_ANCH_PAD // 128, 128),
                                       jnp.int32),
    )(m3)
    return cs.reshape(N_IMG, N_ANCH_PAD)


def _nms_body(bp_ref, an_ref, s_ref, c_ref, out_ref):
    t0 = bp_ref[0] * 0.1
    t1 = bp_ref[1] * 0.1
    t2 = bp_ref[2] * 0.2
    t3 = bp_ref[3] * 0.2
    acx = an_ref[0]
    acy = an_ref[1]
    aw = an_ref[2]
    ah = an_ref[3]
    cx = t0 * aw + acx
    cy = t1 * ah + acy
    w = jnp.exp(t2) * aw
    h = jnp.exp(t3) * ah
    x1 = cx - w * 0.5
    y1 = cy - h * 0.5
    x2 = cx + w * 0.5
    y2 = cy + h * 0.5
    area = (x2 - x1) * (y2 - y1)
    c = c_ref[...]
    conf = s_ref[...]
    s0 = jnp.where(conf > CONF_T, conf, NEG_INF)
    lane = jax.lax.broadcasted_iota(jnp.int32, s0.shape, 1)

    def body(i, s):
        mval = jnp.max(s, axis=1, keepdims=True)
        eq = s == mval
        jpos = jnp.min(jnp.where(eq, lane, NMS_PAD), axis=1, keepdims=True)
        onehot = lane == jpos

        def sel(arr):
            return jnp.sum(jnp.where(onehot, arr, 0.0), axis=1, keepdims=True)

        cxj = sel(cx)
        cyj = sel(cy)
        wj = sel(w)
        hj = sel(h)
        cj = sel(c)
        x1j = cxj - wj * 0.5
        y1j = cyj - hj * 0.5
        x2j = cxj + wj * 0.5
        y2j = cyj + hj * 0.5
        areaj = (x2j - x1j) * (y2j - y1j)
        ix1 = jnp.maximum(x1, x1j)
        iy1 = jnp.maximum(y1, y1j)
        ix2 = jnp.minimum(x2, x2j)
        iy2 = jnp.minimum(y2, y2j)
        inter = jnp.maximum(ix2 - ix1, 0.0) * jnp.maximum(iy2 - iy1, 0.0)
        iou = inter / (area + areaj - inter + 1e-8)
        suppress = ((iou >= IOU_T) & (c == cj)) | onehot
        keep = mval > NEG_INF
        row = jnp.concatenate([cxj, cyj, wj, hj, cj, mval], axis=1)
        row = jnp.where(keep, row, -1.0)
        out_ref[:, pl.ds(i, 1), :] = row[:, None, :]
        return jnp.where(suppress, NEG_INF, s)

    jax.lax.fori_loop(0, MAX_DET, body, s0)


def _nms(bp, an, s, c):
    return pl.pallas_call(
        _nms_body,
        out_shape=jax.ShapeDtypeStruct((N_IMG, MAX_DET, 6), jnp.float32),
    )(bp, an, s, c)


def kernel(images, predictions):
    anchors = jnp.asarray(_make_anchors_np(images.shape[1], images.shape[2]))
    m, cls_f = _reduce_logits(predictions)
    cs = _threshold(m)
    queries = jnp.broadcast_to(
        jnp.arange(1, NMS_PAD + 1, dtype=jnp.int32)[None], (N_IMG, NMS_PAD))
    top_i = jax.vmap(jnp.searchsorted)(cs, queries)
    top_i = jnp.minimum(top_i, _SENT).astype(jnp.int32)
    top_s = jnp.take_along_axis(m, top_i, axis=1)
    top_ic = jnp.minimum(top_i, N_ANCH - 1)
    bp = jnp.take_along_axis(predictions[:, :, :4], top_ic[..., None], axis=1)
    an = anchors[top_ic]
    cg = jnp.take_along_axis(cls_f, top_ic, axis=1)
    bp = jnp.moveaxis(bp, -1, 0)
    an = jnp.moveaxis(an, -1, 0)
    return _nms(bp, an, top_s, cg)

# --- scband reference (transcript-rebuilt; emitter-appended) ---
"""Pipeline reference for scband-decode-predictions-39857296507139 (READ-ONLY COPY).

The authoritative reference and input builder live on the scoring server;
editing this copy changes nothing except your own understanding.
"""

import jax, jax.numpy as jnp
import numpy as np

IOU_T = 0.5
CONF_T = 0.05
MAX_DET = 100
PRE_NMS = 1000
BOX_VAR = np.array([0.1, 0.1, 0.2, 0.2], np.float32)


def _make_anchors(h, w):
    aspect_ratios = [0.5, 1.0, 2.0]
    scales = [2.0 ** x for x in [0.0, 1.0 / 3.0, 2.0 / 3.0]]
    all_a = []
    for i in range(3, 8):
        area = float((2 ** (i + 2)) ** 2)
        stride = float(2 ** i)
        dims = []
        for r in aspect_ratios:
            ah = np.sqrt(area / r)
            aw = area / ah
            for s in scales:
                dims.append([aw * s, ah * s])
        dims = np.array(dims, np.float32)
        fh = int(np.ceil(h / stride))
        fw = int(np.ceil(w / stride))
        rx = (np.arange(fw, dtype=np.float32) + 0.5) * stride
        ry = (np.arange(fh, dtype=np.float32) + 0.5) * stride
        cx, cy = np.meshgrid(rx, ry)
        centers = np.stack([cx, cy], -1)
        centers = np.tile(centers[:, :, None, :], (1, 1, 9, 1))
        d = np.tile(dims[None, None, :, :], (fh, fw, 1, 1))
        all_a.append(np.concatenate([centers, d], -1).reshape(-1, 4))
    return np.concatenate(all_a, 0)


def _corners(b):
    x1 = b[..., 0] - b[..., 2] * 0.5
    y1 = b[..., 1] - b[..., 3] * 0.5
    x2 = b[..., 0] + b[..., 2] * 0.5
    y2 = b[..., 1] + b[..., 3] * 0.5
    return x1, y1, x2, y2


def _nms_image(boxes, cls_f, scores):
    top_s, top_i = jax.lax.top_k(scores, PRE_NMS)
    b = boxes[top_i]
    c = cls_f[top_i]
    s = jnp.where(top_s > CONF_T, top_s, -jnp.inf)
    x1, y1, x2, y2 = _corners(b)
    area = (x2 - x1) * (y2 - y1)
    idxs = jnp.arange(PRE_NMS)

    def body(i, state):
        s, out = state
        j = jnp.argmax(s)
        sj = s[j]
        bj = b[j]
        cj = c[j]
        ix1 = jnp.maximum(x1, x1[j])
        iy1 = jnp.maximum(y1, y1[j])
        ix2 = jnp.minimum(x2, x2[j])
        iy2 = jnp.minimum(y2, y2[j])
        inter = jnp.maximum(ix2 - ix1, 0.0) * jnp.maximum(iy2 - iy1, 0.0)
        iou = inter / (area + area[j] - inter + 1e-8)
        suppress = ((iou >= IOU_T) & (c == cj)) | (idxs == j)
        row = jnp.concatenate([bj, jnp.reshape(cj, (1,)), jnp.reshape(sj, (1,))])
        keep = sj > -jnp.inf
        row = jnp.where(keep, row, -jnp.ones(6, jnp.float32))
        out = out.at[i].set(row)
        s = jnp.where(suppress, -jnp.inf, s)
        return s, out

    s, out = jax.lax.fori_loop(0, MAX_DET, body, (s, jnp.zeros((MAX_DET, 6), jnp.float32)))
    return out


def setup_inputs(seed: int = 0) -> dict:
    key = jax.random.key(seed)
    k1, k2 = jax.random.split(key)
    images = jax.random.normal(k1, (8, 512, 512, 3), jnp.float32)
    predictions = jax.random.normal(k2, (8, 49104, 84), jnp.float32)
    return {"images": images, "predictions": predictions}


def reference(images, predictions):
    anchors = jnp.asarray(_make_anchors(images.shape[1], images.shape[2]))
    box_pred = predictions[:, :, :4] * jnp.asarray(BOX_VAR)
    cls_pred = jax.nn.sigmoid(predictions[:, :, 4:])
    xy = box_pred[:, :, :2] * anchors[None, :, 2:] + anchors[None, :, :2]
    wh = jnp.exp(box_pred[:, :, 2:]) * anchors[None, :, 2:]
    boxes = jnp.concatenate([xy, wh], axis=-1)
    classes = jnp.argmax(cls_pred, axis=-1).astype(boxes.dtype)
    conf = jnp.max(cls_pred, axis=-1)
    return jax.vmap(_nms_image)(boxes, classes, conf)

if __name__ == "__main__":
    import jax
    _d = setup_inputs()
    print(jax.jit(kernel)(*tuple(_d.values())))

</pallas_src>

<mosaic_0001>
module attributes {stable_mosaic.version = 14 : i64} {
  func.func @_reduce_body(%arg0: i32, %arg1: memref<8x1024x84xf32, #tpu.memory_space<vmem>>, %arg2: memref<8x1024xf32, #tpu.memory_space<vmem>>, %arg3: memref<8x1024xf32, #tpu.memory_space<vmem>>) attributes {dimension_semantics = [#tpu.dimension_semantics<arbitrary>], iteration_bounds = array<i64: 48>, scalar_prefetch = 0 : i64, scratch_operands = 0 : i64, tpu.core_type = #tpu.core_type<tc>, window_params = [{transform_indices = @transform_0, window_bounds = array<i64: 8, 1024, 84>}, {transform_indices = @transform_1, window_bounds = array<i64: 8, 1024>}, {transform_indices = @transform_2, window_bounds = array<i64: 8, 1024>}]} {
    %get3A = arith.constant 0 : index
    %get3A_0 = arith.constant 0 : index
    %get3A_1 = arith.constant 0 : index
    %get3A_2 = vector.load %arg1[%get3A, %get3A_0, %get3A_1] : memref<8x1024x84xf32, #tpu.memory_space<vmem>>, vector<8x1024x84xf32>
    %logistic3A = arith.negf %get3A_2 : vector<8x1024x84xf32>
    %logistic3A_3 = math.exp %logistic3A : vector<8x1024x84xf32>
    %logistic3A_4 = arith.constant 1.000000e+00 : f32
    %logistic3A_5 = vector.broadcast %logistic3A_4 : f32 to vector<8x1024x84xf32>
    %logistic3A_6 = arith.addf %logistic3A_5, %logistic3A_3 : vector<8x1024x84xf32>
    %logistic3A_7 = arith.divf %logistic3A_5, %logistic3A_6 : vector<8x1024x84xf32>
    %iota3A = tpu.iota {dimensions = array<i32: 2>} : vector<8x1024x84xi32>
    %ge3A = arith.constant 4 : i32
    %ge3A_8 = vector.broadcast %ge3A : i32 to vector<8x1024x84xi32>
    %ge3A_9 = arith.cmpi sge, %iota3A, %ge3A_8 : vector<8x1024x84xi32>
    %jit3A = arith.constant -1.000000e+00 : f32
    %broadcast_in_dim3A = vector.broadcast %jit3A : f32 to vector<8x1024x84xf32>
    %select_n3A = arith.select %ge3A_9, %logistic3A_7, %broadcast_in_dim3A : vector<8x1024x84xi1>, vector<8x1024x84xf32>
    %reduce_max3A = arith.constant dense<0xFF800000> : vector<8x1024xf32>
    %reduce_max3A_10 = vector.multi_reduction <maximumf>, %select_n3A, %reduce_max3A [2] : vector<8x1024x84xf32> to vector<8x1024xf32>
    %broadcast_in_dim3A_11 = vector.shape_cast %reduce_max3A_10 : vector<8x1024xf32> to vector<8x1024x1xf32>
    %eq3A = vector.broadcast %broadcast_in_dim3A_11 : vector<8x1024x1xf32> to vector<8x1024x84xf32>
    %eq3A_12 = arith.cmpf oeq, %select_n3A, %eq3A : vector<8x1024x84xf32>
    %jit3A_13 = arith.constant 127 : i32
    %broadcast_in_dim3A_14 = vector.broadcast %jit3A_13 : i32 to vector<8x1024x84xi32>
    %select_n3A_15 = arith.select %eq3A_12, %iota3A, %broadcast_in_dim3A_14 : vector<8x1024x84xi1>, vector<8x1024x84xi32>
    %reduce_min3A = arith.constant dense<2147483647> : vector<8x1024xi32>
    %reduce_min3A_16 = vector.multi_reduction <minsi>, %select_n3A_15, %reduce_min3A [2] : vector<8x1024x84xi32> to vector<8x1024xi32>
    %sub3A = arith.constant 4 : i32
    %sub3A_17 = vector.broadcast %sub3A : i32 to vector<8x1024xi32>
    %sub3A_18 = arith.subi %reduce_min3A_16, %sub3A_17 : vector<8x1024xi32>
    %convert_element_type3A = arith.sitofp %sub3A_18 : vector<8x1024xi32> to vector<8x1024xf32>
    %mul3A = arith.constant 1024 : i32
    %mul3A_19 = arith.muli %arg0, %mul3A : i32
    %iota3A_20 = tpu.iota {dimensions = array<i32: 1>} : vector<8x1024xi32>
    %add3A = vector.broadcast %mul3A_19 : i32 to vector<8x1024xi32>
    %add3A_21 = arith.addi %add3A, %iota3A_20 : vector<8x1024xi32>
    %lt3A = arith.constant 49104 : i32
    %lt3A_22 = vector.broadcast %lt3A : i32 to vector<8x1024xi32>
    %lt3A_23 = arith.cmpi slt, %add3A_21, %lt3A_22 : vector<8x1024xi32>
    %jit3A_24 = arith.constant 0xFF800000 : f32
    %broadcast_in_dim3A_25 = vector.broadcast %jit3A_24 : f32 to vector<8x1024xf32>
    %select_n3A_26 = arith.select %lt3A_23, %reduce_max3A_10, %broadcast_in_dim3A_25 : vector<8x1024xi1>, vector<8x1024xf32>
    %swap3A = arith.constant 0 : index
    %swap3A_27 = arith.constant 0 : index
    %swap3A_28 = vector.load %arg2[%swap3A, %swap3A_27] : memref<8x1024xf32, #tpu.memory_space<vmem>>, vector<8x1024xf32>
    tpu.vector_store %arg2[%swap3A, %swap3A_27], %select_n3A_26 {strides = array<i32>} : memref<8x1024xf32, #tpu.memory_space<vmem>>, vector<8x1024xf32>,
    %jit3A_29 = arith.constant -1.000000e+00 : f32
    %broadcast_in_dim3A_30 = vector.broadcast %jit3A_29 : f32 to vector<8x1024xf32>
    %select_n3A_31 = arith.select %lt3A_23, %convert_element_type3A, %broadcast_in_dim3A_30 : vector<8x1024xi1>, vector<8x1024xf32>
    %swap3A_32 = arith.constant 0 : index
    %swap3A_33 = arith.constant 0 : index
    %swap3A_34 = vector.load %arg3[%swap3A_32, %swap3A_33] : memref<8x1024xf32, #tpu.memory_space<vmem>>, vector<8x1024xf32>
    tpu.vector_store %arg3[%swap3A_32, %swap3A_33], %select_n3A_31 {strides = array<i32>} : memref<8x1024xf32, #tpu.memory_space<vmem>>, vector<8x1024xf32>,
    return
  }
  func.func @transform_0(%arg0: i32) -> (i32, i32, i32) {
    %c0_i32 = arith.constant 0 : i32
    %c0_i32_0 = arith.constant 0 : i32
    %c0_i32_1 = arith.constant 0 : i32
    return %c0_i32, %arg0, %c0_i32_0 : i32, i32, i32
  }
  func.func @transform_1(%arg0: i32) -> (i32, i32) {
    %c0_i32 = arith.constant 0 : i32
    %c0_i32_0 = arith.constant 0 : i32
    return %c0_i32, %arg0 : i32, i32
  }
  func.func @transform_2(%arg0: i32) -> (i32, i32) {
    %c0_i32 = arith.constant 0 : i32
    %c0_i32_0 = arith.constant 0 : i32
    return %c0_i32, %arg0 : i32, i32
  }
}

module attributes {stable_mosaic.version = 14 : i64} {
  func.func @_thresh_body(%arg0: memref<8x384x128xf32, #tpu.memory_space<vmem>>, %arg1: memref<8x384x128xi32, #tpu.memory_space<vmem>>) attributes {dimension_semantics = [], scalar_prefetch = 0 : i64, scratch_operands = 0 : i64, tpu.core_type = #tpu.core_type<tc>} {
    %get3A = arith.constant 0 : index
    %get3A_0 = arith.constant 0 : index
    %get3A_1 = arith.constant 0 : index
    %get3A_2 = vector.load %arg0[%get3A, %get3A_0, %get3A_1] : memref<8x384x128xf32, #tpu.memory_space<vmem>>, vector<8x384x128xf32>
    %bitcast_convert_type3A = tpu.bitcast %get3A_2 : vector<8x384x128xf32> -> vector<8x384x128xi32>
    %broadcast_in_dim3A = arith.constant -1 : i32
    %broadcast_in_dim3A_3 = vector.broadcast %broadcast_in_dim3A : i32 to vector<8x1x1xi32>
    %broadcast_in_dim3A_4 = arith.constant 1065353216 : i32
    %broadcast_in_dim3A_5 = vector.broadcast %broadcast_in_dim3A_4 : i32 to vector<8x1x1xi32>
    %scan3A = arith.constant 0 : i32
    %scan3A_6 = arith.constant 31 : i32
    %scan3A_7 = arith.addi %scan3A, %scan3A_6 : i32
    %scan3A_8 = arith.constant 1 : i32
    %scan3A_9:2 = scf.for %scan3A_50 = %scan3A to %scan3A_7 step %scan3A_8 iter_args(%scan3A_51 = %broadcast_in_dim3A_3, %scan3A_52 = %broadcast_in_dim3A_5) -> (vector<8x1x1xi32>, vector<8x1x1xi32>)  : i32 {
      %add3A_53 = arith.addi %scan3A_51, %scan3A_52 : vector<8x1x1xi32>
      %add3A_54 = arith.constant 1 : i32
      %add3A_55 = vector.broadcast %add3A_54 : i32 to vector<8x1x1xi32>
      %add3A_56 = arith.addi %add3A_53, %add3A_55 : vector<8x1x1xi32>
      %shift_right_arithmetic3A = arith.constant 1 : i32
      %shift_right_arithmetic3A_57 = vector.broadcast %shift_right_arithmetic3A : i32 to vector<8x1x1xi32>
      %shift_right_arithmetic3A_58 = arith.shrsi %add3A_56, %shift_right_arithmetic3A_57 : vector<8x1x1xi32>
      %gt3A_59 = vector.broadcast %shift_right_arithmetic3A_58 : vector<8x1x1xi32> to vector<8x384x128xi32>
      %gt3A_60 = arith.cmpi sgt, %bitcast_convert_type3A, %gt3A_59 : vector<8x384x128xi32>
      %convert_element_type3A_61 = arith.extui %gt3A_60 : vector<8x384x128xi1> to vector<8x384x128xi32>
      %reduce_sum3A_62 = arith.constant dense<0> : vector<8xi32>
      %reduce_sum3A_63 = vector.multi_reduction <add>, %convert_element_type3A_61, %reduce_sum3A_62 [1, 2] : vector<8x384x128xi32> to vector<8xi32>
      %broadcast_in_dim3A_64 = vector.shape_cast %reduce_sum3A_63 : vector<8xi32> to vector<8x1x1xi32>
      %ge3A = arith.constant 1000 : i32
      %ge3A_65 = vector.broadcast %ge3A : i32 to vector<8x1x1xi32>
      %ge3A_66 = arith.cmpi sge, %broadcast_in_dim3A_64, %ge3A_65 : vector<8x1x1xi32>
      %select_n3A = arith.select %ge3A_66, %shift_right_arithmetic3A_58, %scan3A_51 : vector<8x1x1xi1>, vector<8x1x1xi32>
      %select_n3A_67 = arith.select %ge3A_66, %scan3A_52, %shift_right_arithmetic3A_58 : vector<8x1x1xi1>, vector<8x1x1xi32>
      scf.yield %select_n3A, %select_n3A_67 : vector<8x1x1xi32>, vector<8x1x1xi32>
    }
    %gt3A = vector.broadcast %scan3A_9#1 : vector<8x1x1xi32> to vector<8x384x128xi32>
    %gt3A_10 = arith.cmpi sgt, %bitcast_convert_type3A, %gt3A : vector<8x384x128xi32>
    %convert_element_type3A = arith.extui %gt3A_10 : vector<8x384x128xi1> to vector<8x384x128xi32>
    %reduce_sum3A = arith.constant dense<0> : vector<8xi32>
    %reduce_sum3A_11 = vector.multi_reduction <add>, %convert_element_type3A, %reduce_sum3A [1, 2] : vector<8x384x128xi32> to vector<8xi32>
    %broadcast_in_dim3A_12 = vector.shape_cast %reduce_sum3A_11 : vector<8xi32> to vector<8x1x1xi32>
    %sub3A = arith.constant 1000 : i32
    %sub3A_13 = vector.broadcast %sub3A : i32 to vector<8x1x1xi32>
    %sub3A_14 = arith.subi %sub3A_13, %broadcast_in_dim3A_12 : vector<8x1x1xi32>
    %iota3A = tpu.iota {dimensions = array<i32: 0>} : vector<128x128xi32>
    %iota3A_15 = tpu.iota {dimensions = array<i32: 1>} : vector<128x128xi32>
    %le3A = arith.cmpi sle, %iota3A, %iota3A_15 : vector<128x128xi32>
    %convert_element_type3A_16 = arith.extui %le3A : vector<128x128xi1> to vector<128x128xi32>
    %convert_element_type3A_17 = arith.sitofp %convert_element_type3A_16 : vector<128x128xi32> to vector<128x128xf32>
    %iota3A_18 = tpu.iota {dimensions = array<i32: 0>} : vector<384x384xi32>
    %iota3A_19 = tpu.iota {dimensions = array<i32: 1>} : vector<384x384xi32>
    %lt3A = arith.cmpi slt, %iota3A_18, %iota3A_19 : vector<384x384xi32>
    %convert_element_type3A_20 = arith.extui %lt3A : vector<384x384xi1> to vector<384x384xi32>
    %convert_element_type3A_21 = arith.sitofp %convert_element_type3A_20 : vector<384x384xi32> to vector<384x384xf32>
    %eq3A = vector.broadcast %scan3A_9#1 : vector<8x1x1xi32> to vector<8x384x128xi32>
    %eq3A_22 = arith.cmpi eq, %bitcast_convert_type3A, %eq3A : vector<8x384x128xi32>
    %convert_element_type3A_23 = arith.extui %eq3A_22 : vector<8x384x128xi1> to vector<8x384x128xi32>
    %convert_element_type3A_24 = arith.sitofp %convert_element_type3A_23 : vector<8x384x128xi32> to vector<8x384x128xf32>
    %dot_general3A = arith.constant dense<0.000000e+00> : vector<8x384x128xf32>
    %dot_general3A_25 = tpu.matmul %convert_element_type3A_24, %convert_element_type3A_17, %dot_general3A {dimension_numbers = #tpu.dot_dimension_numbers<[2], [0], [0, 1], [1], [0, 0, 0, 1, 1, 1], [], []>, transpose_lhs_hint = false} : vector<8x384x128xf32>, vector<128x128xf32>, vector<8x384x128xf32> -> vector<8x384x128xf32>
    %slice3A = vector.extract_strided_slice %dot_general3A_25 {offsets = [0, 0, 127], sizes = [8, 384, 1], strides = [1, 1, 1]} : vector<8x384x128xf32> to vector<8x384x1xf32>
    %squeeze3A = vector.shape_cast %slice3A : vector<8x384x1xf32> to vector<8x384xf32>
    %dot_general3A_26 = arith.constant dense<0.000000e+00> : vector<8x384xf32>
    %dot_general3A_27 = tpu.matmul %squeeze3A, %convert_element_type3A_21, %dot_general3A_26 {dimension_numbers = #tpu.dot_dimension_numbers<[1], [0], [0], [1], [0, 0, 1, 1], [], []>, transpose_lhs_hint = false} : vector<8x384xf32>, vector<384x384xf32>, vector<8x384xf32> -> vector<8x384xf32>
    %broadcast_in_dim3A_28 = vector.shape_cast %dot_general3A_27 : vector<8x384xf32> to vector<8x384x1xf32>
    %add3A = vector.broadcast %broadcast_in_dim3A_28 : vector<8x384x1xf32> to vector<8x384x128xf32>
    %add3A_29 = arith.addf %dot_general3A_25, %add3A : vector<8x384x128xf32>
    %gt3A_30 = vector.broadcast %scan3A_9#1 : vector<8x1x1xi32> to vector<8x384x128xi32>
    %gt3A_31 = arith.cmpi sgt, %bitcast_convert_type3A, %gt3A_30 : vector<8x384x128xi32>
    %convert_element_type3A_32 = arith.sitofp %sub3A_14 : vector<8x1x1xi32> to vector<8x1x1xf32>
    %le3A_33 = vector.broadcast %convert_element_type3A_32 : vector<8x1x1xf32> to vector<8x384x128xf32>
    %le3A_34 = arith.cmpf ole, %add3A_29, %le3A_33 : vector<8x384x128xf32>
    %and3A = arith.andi %eq3A_22, %le3A_34 : vector<8x384x128xi1>
    %or3A = arith.ori %gt3A_31, %and3A : vector<8x384x128xi1>
    %convert_element_type3A_35 = arith.extui %or3A : vector<8x384x128xi1> to vector<8x384x128xi32>
    %convert_element_type3A_36 = arith.sitofp %convert_element_type3A_35 : vector<8x384x128xi32> to vector<8x384x128xf32>
    %dot_general3A_37 = arith.constant dense<0.000000e+00> : vector<8x384x128xf32>
    %dot_general3A_38 = tpu.matmul %convert_element_type3A_36, %convert_element_type3A_17, %dot_general3A_37 {dimension_numbers = #tpu.dot_dimension_numbers<[2], [0], [0, 1], [1], [0, 0, 0, 1, 1, 1], [], []>, transpose_lhs_hint = false} : vector<8x384x128xf32>, vector<128x128xf32>, vector<8x384x128xf32> -> vector<8x384x128xf32>
    %slice3A_39 = vector.extract_strided_slice %dot_general3A_38 {offsets = [0, 0, 127], sizes = [8, 384, 1], strides = [1, 1, 1]} : vector<8x384x128xf32> to vector<8x384x1xf32>
    %squeeze3A_40 = vector.shape_cast %slice3A_39 : vector<8x384x1xf32> to vector<8x384xf32>
    %dot_general3A_41 = arith.constant dense<0.000000e+00> : vector<8x384xf32>
    %dot_general3A_42 = tpu.matmul %squeeze3A_40, %convert_element_type3A_21, %dot_general3A_41 {dimension_numbers = #tpu.dot_dimension_numbers<[1], [0], [0], [1], [0, 0, 1, 1], [], []>, transpose_lhs_hint = false} : vector<8x384xf32>, vector<384x384xf32>, vector<8x384xf32> -> vector<8x384xf32>
    %broadcast_in_dim3A_43 = vector.shape_cast %dot_general3A_42 : vector<8x384xf32> to vector<8x384x1xf32>
    %add3A_44 = vector.broadcast %broadcast_in_dim3A_43 : vector<8x384x1xf32> to vector<8x384x128xf32>
    %add3A_45 = arith.addf %dot_general3A_38, %add3A_44 : vector<8x384x128xf32>
    %convert_element_type3A_46 = arith.fptosi %add3A_45 : vector<8x384x128xf32> to vector<8x384x128xi32>
    %swap3A = arith.constant 0 : index
    %swap3A_47 = arith.constant 0 : index
    %swap3A_48 = arith.constant 0 : index
    %swap3A_49 = vector.load %arg1[%swap3A, %swap3A_47, %swap3A_48] : memref<8x384x128xi32, #tpu.memory_space<vmem>>, vector<8x384x128xi32>
    tpu.vector_store %arg1[%swap3A, %swap3A_47, %swap3A_48], %convert_element_type3A_46 {strides = array<i32>} : memref<8x384x128xi32, #tpu.memory_space<vmem>>, vector<8x384x128xi32>,
    return
  }
}

module attributes {stable_mosaic.version = 14 : i64} {
  func.func @_nms_body(%arg0: memref<4x8x1024xf32, #tpu.memory_space<vmem>>, %arg1: memref<4x8x1024xf32, #tpu.memory_space<vmem>>, %arg2: memref<8x1024xf32, #tpu.memory_space<vmem>>, %arg3: memref<8x1024xf32, #tpu.memory_space<vmem>>, %arg4: memref<8x100x6xf32, #tpu.memory_space<vmem>>) attributes {dimension_semantics = [], scalar_prefetch = 0 : i64, scratch_operands = 0 : i64, tpu.core_type = #tpu.core_type<tc>} {
    %get3A = arith.constant 0 : index
    %get3A_0 = arith.constant 0 : index
    %get3A_1 = arith.constant 0 : index
    %get3A_2 = vector.load %arg0[%get3A, %get3A_0, %get3A_1] : memref<4x8x1024xf32, #tpu.memory_space<vmem>>, vector<1x8x1024xf32>
    %get3A_3 = vector.shape_cast %get3A_2 : vector<1x8x1024xf32> to vector<8x1024xf32>
    %mul3A = arith.constant 1.000000e-01 : f32
    %mul3A_4 = vector.broadcast %mul3A : f32 to vector<8x1024xf32>
    %mul3A_5 = arith.mulf %get3A_3, %mul3A_4 : vector<8x1024xf32>
    %get3A_6 = arith.constant 1 : index
    %get3A_7 = arith.constant 0 : index
    %get3A_8 = arith.constant 0 : index
    %get3A_9 = vector.load %arg0[%get3A_6, %get3A_7, %get3A_8] : memref<4x8x1024xf32, #tpu.memory_space<vmem>>, vector<1x8x1024xf32>
    %get3A_10 = vector.shape_cast %get3A_9 : vector<1x8x1024xf32> to vector<8x1024xf32>
    %mul3A_11 = arith.constant 1.000000e-01 : f32
    %mul3A_12 = vector.broadcast %mul3A_11 : f32 to vector<8x1024xf32>
    %mul3A_13 = arith.mulf %get3A_10, %mul3A_12 : vector<8x1024xf32>
    %get3A_14 = arith.constant 2 : index
    %get3A_15 = arith.constant 0 : index
    %get3A_16 = arith.constant 0 : index
    %get3A_17 = vector.load %arg0[%get3A_14, %get3A_15, %get3A_16] : memref<4x8x1024xf32, #tpu.memory_space<vmem>>, vector<1x8x1024xf32>
    %get3A_18 = vector.shape_cast %get3A_17 : vector<1x8x1024xf32> to vector<8x1024xf32>
    %mul3A_19 = arith.constant 2.000000e-01 : f32
    %mul3A_20 = vector.broadcast %mul3A_19 : f32 to vector<8x1024xf32>
    %mul3A_21 = arith.mulf %get3A_18, %mul3A_20 : vector<8x1024xf32>
    %get3A_22 = arith.constant 3 : index
    %get3A_23 = arith.constant 0 : index
    %get3A_24 = arith.constant 0 : index
    %get3A_25 = vector.load %arg0[%get3A_22, %get3A_23, %get3A_24] : memref<4x8x1024xf32, #tpu.memory_space<vmem>>, vector<1x8x1024xf32>
    %get3A_26 = vector.shape_cast %get3A_25 : vector<1x8x1024xf32> to vector<8x1024xf32>
    %mul3A_27 = arith.constant 2.000000e-01 : f32
    %mul3A_28 = vector.broadcast %mul3A_27 : f32 to vector<8x1024xf32>
    %mul3A_29 = arith.mulf %get3A_26, %mul3A_28 : vector<8x1024xf32>
    %get3A_30 = arith.constant 0 : index
    %get3A_31 = arith.constant 0 : index
    %get3A_32 = arith.constant 0 : index
    %get3A_33 = vector.load %arg1[%get3A_30, %get3A_31, %get3A_32] : memref<4x8x1024xf32, #tpu.memory_space<vmem>>, vector<1x8x1024xf32>
    %get3A_34 = vector.shape_cast %get3A_33 : vector<1x8x1024xf32> to vector<8x1024xf32>
    %get3A_35 = arith.constant 1 : index
    %get3A_36 = arith.constant 0 : index
    %get3A_37 = arith.constant 0 : index
    %get3A_38 = vector.load %arg1[%get3A_35, %get3A_36, %get3A_37] : memref<4x8x1024xf32, #tpu.memory_space<vmem>>, vector<1x8x1024xf32>
    %get3A_39 = vector.shape_cast %get3A_38 : vector<1x8x1024xf32> to vector<8x1024xf32>
    %get3A_40 = arith.constant 2 : index
    %get3A_41 = arith.constant 0 : index
    %get3A_42 = arith.constant 0 : index
    %get3A_43 = vector.load %arg1[%get3A_40, %get3A_41, %get3A_42] : memref<4x8x1024xf32, #tpu.memory_space<vmem>>, vector<1x8x1024xf32>
    %get3A_44 = vector.shape_cast %get3A_43 : vector<1x8x1024xf32> to vector<8x1024xf32>
    %get3A_45 = arith.constant 3 : index
    %get3A_46 = arith.constant 0 : index
    %get3A_47 = arith.constant 0 : index
    %get3A_48 = vector.load %arg1[%get3A_45, %get3A_46, %get3A_47] : memref<4x8x1024xf32, #tpu.memory_space<vmem>>, vector<1x8x1024xf32>
    %get3A_49 = vector.shape_cast %get3A_48 : vector<1x8x1024xf32> to vector<8x1024xf32>
    %mul3A_50 = arith.mulf %mul3A_5, %get3A_44 : vector<8x1024xf32>
    %add3A = arith.addf %mul3A_50, %get3A_34 : vector<8x1024xf32>
    %mul3A_51 = arith.mulf %mul3A_13, %get3A_49 : vector<8x1024xf32>
    %add3A_52 = arith.addf %mul3A_51, %get3A_39 : vector<8x1024xf32>
    %exp3A = math.exp %mul3A_21 : vector<8x1024xf32>
    %mul3A_53 = arith.mulf %exp3A, %get3A_44 : vector<8x1024xf32>
    %exp3A_54 = math.exp %mul3A_29 : vector<8x1024xf32>
    %mul3A_55 = arith.mulf %exp3A_54, %get3A_49 : vector<8x1024xf32>
    %mul3A_56 = arith.constant 5.000000e-01 : f32
    %mul3A_57 = vector.broadcast %mul3A_56 : f32 to vector<8x1024xf32>
    %mul3A_58 = arith.mulf %mul3A_53, %mul3A_57 : vector<8x1024xf32>
    %sub3A = arith.subf %add3A, %mul3A_58 : vector<8x1024xf32>
    %mul3A_59 = arith.constant 5.000000e-01 : f32
    %mul3A_60 = vector.broadcast %mul3A_59 : f32 to vector<8x1024xf32>
    %mul3A_61 = arith.mulf %mul3A_55, %mul3A_60 : vector<8x1024xf32>
    %sub3A_62 = arith.subf %add3A_52, %mul3A_61 : vector<8x1024xf32>
    %mul3A_63 = arith.constant 5.000000e-01 : f32
    %mul3A_64 = vector.broadcast %mul3A_63 : f32 to vector<8x1024xf32>
    %mul3A_65 = arith.mulf %mul3A_53, %mul3A_64 : vector<8x1024xf32>
    %add3A_66 = arith.addf %add3A, %mul3A_65 : vector<8x1024xf32>
    %mul3A_67 = arith.constant 5.000000e-01 : f32
    %mul3A_68 = vector.broadcast %mul3A_67 : f32 to vector<8x1024xf32>
    %mul3A_69 = arith.mulf %mul3A_55, %mul3A_68 : vector<8x1024xf32>
    %add3A_70 = arith.addf %add3A_52, %mul3A_69 : vector<8x1024xf32>
    %sub3A_71 = arith.subf %add3A_66, %sub3A : vector<8x1024xf32>
    %sub3A_72 = arith.subf %add3A_70, %sub3A_62 : vector<8x1024xf32>
    %mul3A_73 = arith.mulf %sub3A_71, %sub3A_72 : vector<8x1024xf32>
    %get3A_74 = arith.constant 0 : index
    %get3A_75 = arith.constant 0 : index
    %get3A_76 = vector.load %arg3[%get3A_74, %get3A_75] : memref<8x1024xf32, #tpu.memory_space<vmem>>, vector<8x1024xf32>
    %get3A_77 = arith.constant 0 : index
    %get3A_78 = arith.constant 0 : index
    %get3A_79 = vector.load %arg2[%get3A_77, %get3A_78] : memref<8x1024xf32, #tpu.memory_space<vmem>>, vector<8x1024xf32>
    %gt3A = arith.constant 5.000000e-02 : f32
    %gt3A_80 = vector.broadcast %gt3A : f32 to vector<8x1024xf32>
    %gt3A_81 = arith.cmpf ogt, %get3A_79, %gt3A_80 : vector<8x1024xf32>
    %jit3A = arith.constant 0xFF800000 : f32
    %broadcast_in_dim3A = vector.broadcast %jit3A : f32 to vector<8x1024xf32>
    %select_n3A = arith.select %gt3A_81, %get3A_79, %broadcast_in_dim3A : vector<8x1024xi1>, vector<8x1024xf32>
    %iota3A = tpu.iota {dimensions = array<i32: 1>} : vector<8x1024xi32>
    %scan3A = arith.constant 0 : i32
    %scan3A_82 = arith.constant 100 : i32
    %scan3A_83 = arith.addi %scan3A, %scan3A_82 : i32
    %scan3A_84 = arith.constant 1 : i32
    %scan3A_85 = scf.for %scan3A_87 = %scan3A to %scan3A_83 step %scan3A_84 iter_args(%scan3A_88 = %select_n3A) -> (vector<8x1024xf32>)  : i32 {
      %reduce_max3A = arith.constant dense<0xFF800000> : vector<8xf32>
      %reduce_max3A_89 = vector.multi_reduction <maximumf>, %scan3A_88, %reduce_max3A [1] : vector<8x1024xf32> to vector<8xf32>
      %broadcast_in_dim3A_90 = vector.shape_cast %reduce_max3A_89 : vector<8xf32> to vector<8x1xf32>
      %eq3A = vector.broadcast %broadcast_in_dim3A_90 : vector<8x1xf32> to vector<8x1024xf32>
      %eq3A_91 = arith.cmpf oeq, %scan3A_88, %eq3A : vector<8x1024xf32>
      %jit3A_92 = arith.constant 1024 : i32
      %broadcast_in_dim3A_93 = vector.broadcast %jit3A_92 : i32 to vector<8x1024xi32>
      %select_n3A_94 = arith.select %eq3A_91, %iota3A, %broadcast_in_dim3A_93 : vector<8x1024xi1>, vector<8x1024xi32>
      %reduce_min3A = arith.constant dense<2147483647> : vector<8xi32>
      %reduce_min3A_95 = vector.multi_reduction <minsi>, %select_n3A_94, %reduce_min3A [1] : vector<8x1024xi32> to vector<8xi32>
      %broadcast_in_dim3A_96 = vector.shape_cast %reduce_min3A_95 : vector<8xi32> to vector<8x1xi32>
      %eq3A_97 = vector.broadcast %broadcast_in_dim3A_96 : vector<8x1xi32> to vector<8x1024xi32>
      %eq3A_98 = arith.cmpi eq, %iota3A, %eq3A_97 : vector<8x1024xi32>
      %jit3A_99 = arith.constant 0.000000e+00 : f32
      %broadcast_in_dim3A_100 = vector.broadcast %jit3A_99 : f32 to vector<8x1024xf32>
      %select_n3A_101 = arith.select %eq3A_98, %add3A, %broadcast_in_dim3A_100 : vector<8x1024xi1>, vector<8x1024xf32>
      %reduce_sum3A = arith.constant dense<0.000000e+00> : vector<8xf32>
      %reduce_sum3A_102 = vector.multi_reduction <add>, %select_n3A_101, %reduce_sum3A [1] : vector<8x1024xf32> to vector<8xf32>
      %broadcast_in_dim3A_103 = vector.shape_cast %reduce_sum3A_102 : vector<8xf32> to vector<8x1xf32>
      %jit3A_104 = arith.constant 0.000000e+00 : f32
      %broadcast_in_dim3A_105 = vector.broadcast %jit3A_104 : f32 to vector<8x1024xf32>
      %select_n3A_106 = arith.select %eq3A_98, %add3A_52, %broadcast_in_dim3A_105 : vector<8x1024xi1>, vector<8x1024xf32>
      %reduce_sum3A_107 = arith.constant dense<0.000000e+00> : vector<8xf32>
      %reduce_sum3A_108 = vector.multi_reduction <add>, %select_n3A_106, %reduce_sum3A_107 [1] : vector<8x1024xf32> to vector<8xf32>
      %broadcast_in_dim3A_109 = vector.shape_cast %reduce_sum3A_108 : vector<8xf32> to vector<8x1xf32>
      %jit3A_110 = arith.constant 0.000000e+00 : f32
      %broadcast_in_dim3A_111 = vector.broadcast %jit3A_110 : f32 to vector<8x1024xf32>
      %select_n3A_112 = arith.select %eq3A_98, %mul3A_53, %broadcast_in_dim3A_111 : vector<8x1024xi1>, vector<8x1024xf32>
      %reduce_sum3A_113 = arith.constant dense<0.000000e+00> : vector<8xf32>
      %reduce_sum3A_114 = vector.multi_reduction <add>, %select_n3A_112, %reduce_sum3A_113 [1] : vector<8x1024xf32> to vector<8xf32>
      %broadcast_in_dim3A_115 = vector.shape_cast %reduce_sum3A_114 : vector<8xf32> to vector<8x1xf32>
      %jit3A_116 = arith.constant 0.000000e+00 : f32
      %broadcast_in_dim3A_117 = vector.broadcast %jit3A_116 : f32 to vector<8x1024xf32>
      %select_n3A_118 = arith.select %eq3A_98, %mul3A_55, %broadcast_in_dim3A_117 : vector<8x1024xi1>, vector<8x1024xf32>
      %reduce_sum3A_119 = arith.constant dense<0.000000e+00> : vector<8xf32>
      %reduce_sum3A_120 = vector.multi_reduction <add>, %select_n3A_118, %reduce_sum3A_119 [1] : vector<8x1024xf32> to vector<8xf32>
      %broadcast_in_dim3A_121 = vector.shape_cast %reduce_sum3A_120 : vector<8xf32> to vector<8x1xf32>
      %jit3A_122 = arith.constant 0.000000e+00 : f32
      %broadcast_in_dim3A_123 = vector.broadcast %jit3A_122 : f32 to vector<8x1024xf32>
      %select_n3A_124 = arith.select %eq3A_98, %get3A_76, %broadcast_in_dim3A_123 : vector<8x1024xi1>, vector<8x1024xf32>
      %reduce_sum3A_125 = arith.constant dense<0.000000e+00> : vector<8xf32>
      %reduce_sum3A_126 = vector.multi_reduction <add>, %select_n3A_124, %reduce_sum3A_125 [1] : vector<8x1024xf32> to vector<8xf32>
      %broadcast_in_dim3A_127 = vector.shape_cast %reduce_sum3A_126 : vector<8xf32> to vector<8x1xf32>
      %mul3A_128 = arith.constant 5.000000e-01 : f32
      %mul3A_129 = vector.broadcast %mul3A_128 : f32 to vector<8x1xf32>
      %mul3A_130 = arith.mulf %broadcast_in_dim3A_115, %mul3A_129 : vector<8x1xf32>
      %sub3A_131 = arith.subf %broadcast_in_dim3A_103, %mul3A_130 : vector<8x1xf32>
      %mul3A_132 = arith.constant 5.000000e-01 : f32
      %mul3A_133 = vector.broadcast %mul3A_132 : f32 to vector<8x1xf32>
      %mul3A_134 = arith.mulf %broadcast_in_dim3A_121, %mul3A_133 : vector<8x1xf32>
      %sub3A_135 = arith.subf %broadcast_in_dim3A_109, %mul3A_134 : vector<8x1xf32>
      %mul3A_136 = arith.constant 5.000000e-01 : f32
      %mul3A_137 = vector.broadcast %mul3A_136 : f32 to vector<8x1xf32>
      %mul3A_138 = arith.mulf %broadcast_in_dim3A_115, %mul3A_137 : vector<8x1xf32>
      %add3A_139 = arith.addf %broadcast_in_dim3A_103, %mul3A_138 : vector<8x1xf32>
      %mul3A_140 = arith.constant 5.000000e-01 : f32
      %mul3A_141 = vector.broadcast %mul3A_140 : f32 to vector<8x1xf32>
      %mul3A_142 = arith.mulf %broadcast_in_dim3A_121, %mul3A_141 : vector<8x1xf32>
      %add3A_143 = arith.addf %broadcast_in_dim3A_109, %mul3A_142 : vector<8x1xf32>
      %sub3A_144 = arith.subf %add3A_139, %sub3A_131 : vector<8x1xf32>
      %sub3A_145 = arith.subf %add3A_143, %sub3A_135 : vector<8x1xf32>
      %mul3A_146 = arith.mulf %sub3A_144, %sub3A_145 : vector<8x1xf32>
      %max3A = vector.broadcast %sub3A_131 : vector<8x1xf32> to vector<8x1024xf32>
      %max3A_147 = arith.maximumf %sub3A, %max3A : vector<8x1024xf32>
      %max3A_148 = vector.broadcast %sub3A_135 : vector<8x1xf32> to vector<8x1024xf32>
      %max3A_149 = arith.maximumf %sub3A_62, %max3A_148 : vector<8x1024xf32>
      %min3A = vector.broadcast %add3A_139 : vector<8x1xf32> to vector<8x1024xf32>
      %min3A_150 = arith.minimumf %add3A_66, %min3A : vector<8x1024xf32>
      %min3A_151 = vector.broadcast %add3A_143 : vector<8x1xf32> to vector<8x1024xf32>
      %min3A_152 = arith.minimumf %add3A_70, %min3A_151 : vector<8x1024xf32>
      %sub3A_153 = arith.subf %min3A_150, %max3A_147 : vector<8x1024xf32>
      %max3A_154 = arith.constant 0.000000e+00 : f32
      %max3A_155 = vector.broadcast %max3A_154 : f32 to vector<8x1024xf32>
      %max3A_156 = arith.maximumf %sub3A_153, %max3A_155 : vector<8x1024xf32>
      %sub3A_157 = arith.subf %min3A_152, %max3A_149 : vector<8x1024xf32>
      %max3A_158 = arith.constant 0.000000e+00 : f32
      %max3A_159 = vector.broadcast %max3A_158 : f32 to vector<8x1024xf32>
      %max3A_160 = arith.maximumf %sub3A_157, %max3A_159 : vector<8x1024xf32>
      %mul3A_161 = arith.mulf %max3A_156, %max3A_160 : vector<8x1024xf32>
      %add3A_162 = vector.broadcast %mul3A_146 : vector<8x1xf32> to vector<8x1024xf32>
      %add3A_163 = arith.addf %mul3A_73, %add3A_162 : vector<8x1024xf32>
      %sub3A_164 = arith.subf %add3A_163, %mul3A_161 : vector<8x1024xf32>
      %add3A_165 = arith.constant 9.99999993E-9 : f32
      %add3A_166 = vector.broadcast %add3A_165 : f32 to vector<8x1024xf32>
      %add3A_167 = arith.addf %sub3A_164, %add3A_166 : vector<8x1024xf32>
      %div3A = arith.divf %mul3A_161, %add3A_167 : vector<8x1024xf32>
      %ge3A = arith.constant 5.000000e-01 : f32
      %ge3A_168 = vector.broadcast %ge3A : f32 to vector<8x1024xf32>
      %ge3A_169 = arith.cmpf oge, %div3A, %ge3A_168 : vector<8x1024xf32>
      %eq3A_170 = vector.broadcast %broadcast_in_dim3A_127 : vector<8x1xf32> to vector<8x1024xf32>
      %eq3A_171 = arith.cmpf oeq, %get3A_76, %eq3A_170 : vector<8x1024xf32>
      %and3A = arith.andi %ge3A_169, %eq3A_171 : vector<8x1024xi1>
      %or3A = arith.ori %and3A, %eq3A_98 : vector<8x1024xi1>
      %gt3A_172 = arith.constant 0xFF800000 : f32
      %gt3A_173 = vector.broadcast %gt3A_172 : f32 to vector<8x1xf32>
      %gt3A_174 = arith.cmpf ogt, %broadcast_in_dim3A_90, %gt3A_173 : vector<8x1xf32>
      %concatenate3A = tpu.concatenate %broadcast_in_dim3A_103, %broadcast_in_dim3A_109, %broadcast_in_dim3A_115, %broadcast_in_dim3A_121, %broadcast_in_dim3A_127, %broadcast_in_dim3A_90 in 1 : vector<8x1xf32>, vector<8x1xf32>, vector<8x1xf32>, vector<8x1xf32>, vector<8x1xf32>, vector<8x1xf32> -> vector<8x6xf32>
      %jit3A_175 = arith.constant -1.000000e+00 : f32
      %broadcast_in_dim3A_176 = vector.shape_cast %gt3A_174 : vector<8x1xi1> to vector<8x1xi1>
      %broadcast_in_dim3A_177 = vector.broadcast %broadcast_in_dim3A_176 : vector<8x1xi1> to vector<8x6xi1>
      %broadcast_in_dim3A_178 = vector.broadcast %jit3A_175 : f32 to vector<8x6xf32>
      %select_n3A_179 = arith.select %broadcast_in_dim3A_177, %concatenate3A, %broadcast_in_dim3A_178 : vector<8x6xi1>, vector<8x6xf32>
      %broadcast_in_dim3A_180 = vector.shape_cast %select_n3A_179 : vector<8x6xf32> to vector<8x1x6xf32>
      %swap3A = arith.constant 0 : index
      %swap3A_181 = arith.index_cast %scan3A_87 : i32 to index
      %swap3A_182 = arith.constant 0 : index
      %swap3A_183 = vector.load %arg4[%swap3A, %swap3A_181, %swap3A_182] : memref<8x100x6xf32, #tpu.memory_space<vmem>>, vector<8x1x6xf32>
      tpu.vector_store %arg4[%swap3A, %swap3A_181, %swap3A_182], %broadcast_in_dim3A_180 {strides = array<i32>} : memref<8x100x6xf32, #tpu.memory_space<vmem>>, vector<8x1x6xf32>,
      %jit3A_184 = arith.constant 0xFF800000 : f32
      %broadcast_in_dim3A_185 = vector.broadcast %jit3A_184 : f32 to vector<8x1024xf32>
      %select_n3A_186 = arith.select %or3A, %broadcast_in_dim3A_185, %scan3A_88 : vector<8x1024xi1>, vector<8x1024xf32>
      scf.yield %select_n3A_186 : vector<8x1024xf32>
    }
    %scan3A_86 = arith.constant 100 : i32
    return
  }
}

</mosaic_0001>

<sc_bundles>
// kernel: gather_offload_async_start.1
scs
__scs_entry_jumppad:
0x0: {  	(pc) =	sbr.rel $0x88, $3  }
0x1: {  	(tag) =	ssettag $0x0;
	lr =	simm.s32 $0x1  }
0x2: {  	[smem:$0x3FA0] =	sst lr;
	_ =	strace $0xD0000000  }
0x3: {  	_ = 	snop  }
0x4: {  	_ = 	snop  }
0x5: {  	_ = 	snop  }
0x6: {  	_ = 	snop  }
0x7: {  	_ = 	snop  }
__scs_overlays_trampoline_lowered:
0x8: {  	[smem:$0x3FAF] =	sst s0  }
0x9: {  	[smem:$0x3FB0] =	sst s1  }
0xa: {  	[smem:$0x3FB1] =	sst s2  }
0xb: {  	[smem:$0x3FB2] =	sst s3  }
0xc: {  	[smem:$0x3FB3] =	sst s4  }
0xd: {  	[smem:$0x3FB4] =	sst s5  }
0xe: {  	[smem:$0x3FB5] =	sst s6  }
0xf: {  	[smem:$0x3FB6] =	sst s7  }
0x10: {  	[smem:$0x3FB7] =	sst s8  }
0x11: {  	[smem:$0x3FB8] =	sst s9;
	s0 =	simm.s32 @!p0 $0x0  }
0x12: {  	s1 =	sld [smem:$0x3F9E];
	s0 =	simm.s32 @p0 $0x1  }
0x13: {  	[smem:$0x3FB9] =	sst s0;
	s0 =	simm.s32 @!p1 $0x0  }
0x14: {  	s2 =	sld [smem:$0x3F9D];
	s0 =	simm.s32 @p1 $0x1  }
0x15: {  	[smem:$0x3FBA] =	sst s0;
	s0 =	simm.s32 @!p2 $0x0  }
0x16: {  	s3 =	sld [smem:$0x3FDB];
	s0 =	simm.s32 @p2 $0x1  }
0x17: {  	s4 =	simm.s32 $0x1BF5;
	[smem:$0x3FBC] =	sst s0  }
0x18: {  	s0 =	sld [smem:$0x3F9F];
	_ =	swait.ge [sflag:s4], $0x0  }
0x19: {  	s7 =	sld [smem:$0x3FA0]  }
0x1a: {  	s8 =	sadd.s32 $0xFFFFE003, lr  }
0x1b: {  	s9 =	sadd.s32 $0xFFFFFEF7, lr;
	s5 =	simm.s32 $0xFFFFFFFF;
	p2 =	slt.u32 s8, $0xFFFFF086  }
0x1c: {  	p1 =	slt.u32 s9, $0xF7A;
	s5 =	simm.s32 @!p2 $0x0  }
0x1d: {  	s5 =	simm.s32 @p1 $0x1;
	p0 =	seq.s32 s7, s2  }
0x1e: {  	s7 =	smul.u32 @!p0 $0xF7A, s2;
	p2 =	seq.s32 @!p0 s5, $0x0  }
0x1f: {  	s9 =	smul.u32 $0xF7A, s1;
	s8 =	simm.s32 @!p0 $0x1BF5;
	p2 =	por !p2, p0  }
0x20: {  	[sflag:s8] =	ssyncset.s32 @!p0 $0xFFFFF086;
	s6 =	sadd.s32 @!p0 s3, s7;
	s7 =	simm.s32 @!p0 $0x108  }
0x21: {  	s3 =	sadd.s32 s3, s9;
	s6 =	sadd.s32 @!p0 $0x88, s6;
	s7 =	simm.s32 @p2 $0x1082  }
0x22: {  	[simem:s7], [sflag:s8] =	dma.local @!p0 [hbm:s6], $0xF7A  }
0x23: {  	s9 =	sor.u32 $0xD0000000, s2;
	s6 =	simm.s32 $0x108;
	_ =	swait.ge @!p0 [sflag:s8], $0x0  }
0x24: {  	s3 =	sadd.s32 $0x88, s3;
	s6 =	simm.s32 @!p1 $0x1082;
	[sflag:s4] =	ssyncset.s32 $0xFFFFF086  }
0x25: {  	[simem:s6], [sflag:s4] =	dma.local [hbm:s3], $0xF7A  }
0x26: {  	[smem:$0x3FA0] =	sst s1;
	(tag) =	ssettag s2;
	_ =	strace s9  }
0x27: {  	s1 =	sld [smem:$0x3FB0]  }
0x28: {  	s2 =	sld [smem:$0x3FB1]  }
0x29: {  	s4 =	sld [smem:$0x3FB3]  }
0x2a: {  	p0 =	seq.s32 s5, $0x0;
	s5 =	sld [smem:$0x3FB4]  }
0x2b: {  	s6 =	sld [smem:$0x3FB5]  }
0x2c: {  	s7 =	sld [smem:$0x3FB6]  }
0x2d: {  	s3 =	simm.s32 $0x108;
	s8 =	sld [smem:$0x3FB7]  }
0x2e: {  	s3 =	simm.s32 @!p0 $0x1082;
	s9 =	sld [smem:$0x3FB8]  }
0x2f: {  	lr =	sadd.s32 s0, s3;
	s0 =	sld [smem:$0x3FAF]  }
0x30: {  	s3 =	sld [smem:$0x3FB2]  }
0x31: {  	[smem:$0x3FBB] =	sst s10  }
0x32: {  	s10 =	sld [smem:$0x3FB9];
	_ =	sdelay $0x3  }
0x33: {  	p0 =	seq.s32 s10, $0x1;
	s10 =	sld [smem:$0x3FBB];
	_ =	sdelay $0x3  }
0x34: {  	[smem:$0x3FBB] =	sst s10  }
0x35: {  	s10 =	sld [smem:$0x3FBA];
	_ =	sdelay $0x3  }
0x36: {  	p1 =	seq.s32 s10, $0x1;
	s10 =	sld [smem:$0x3FBB];
	_ =	sdelay $0x3  }
0x37: {  	[smem:$0x3FBB] =	sst s10  }
0x38: {  	s10 =	sld [smem:$0x3FBC]  }
0x39: {  	_ = 	snop;
	(pc) =	sbr.ind lr, $3  }
0x3a: {  	_ = 	snop  }
0x3b: {  	_ = 	snop  }
0x3c: {  	p2 =	seq.s32 s10, $0x1;
	s10 =	sld [smem:$0x3FBB]  }
0x3d: {  	_ =	shalt  }
0x3e: {  	_ =	shalt  }
0x3f: {  	_ =	shalt  }
0x40: {  	_ =	shalt  }
0x41: {  	_ =	shalt  }
0x42: {  	_ =	shalt  }
0x43: {  	_ =	shalt  }
0x44: {  	_ =	shalt  }
0x45: {  	_ =	shalt  }
0x46: {  	_ =	shalt  }
0x47: {  	_ =	shalt  }
0x48: {  	_ =	shalt  }
0x49: {  	_ =	shalt  }
0x4a: {  	_ =	shalt  }
0x4b: {  	_ =	shalt  }
0x4c: {  	_ =	shalt  }
0x4d: {  	_ =	shalt  }
0x4e: {  	_ =	shalt  }
0x4f: {  	_ =	shalt  }
0x50: {  	_ =	shalt  }
0x51: {  	_ =	shalt  }
0x52: {  	_ =	shalt  }
0x53: {  	_ =	shalt  }
0x54: {  	_ =	shalt  }
0x55: {  	_ =	shalt  }
0x56: {  	_ =	shalt  }
0x57: {  	_ =	shalt  }
0x58: {  	_ =	shalt  }
0x59: {  	_ =	shalt  }
0x5a: {  	_ =	shalt  }
0x5b: {  	_ =	shalt  }
0x5c: {  	_ =	shalt  }
0x5d: {  	_ =	shalt  }
0x5e: {  	_ =	shalt  }
0x5f: {  	_ =	shalt  }
0x60: {  	_ =	shalt  }
0x61: {  	_ =	shalt  }
0x62: {  	_ =	shalt  }
0x63: {  	_ =	shalt  }
0x64: {  	_ =	shalt  }
0x65: {  	_ =	shalt  }
0x66: {  	_ =	shalt  }
0x67: {  	_ =	shalt  }
0x68: {  	_ =	shalt  }
0x69: {  	_ =	shalt  }
0x6a: {  	_ =	shalt  }
0x6b: {  	_ =	shalt  }
0x6c: {  	_ =	shalt  }
0x6d: {  	_ =	shalt  }
0x6e: {  	_ =	shalt  }
0x6f: {  	_ =	shalt  }
0x70: {  	_ =	shalt  }
0x71: {  	_ =	shalt  }
0x72: {  	_ =	shalt  }
0x73: {  	_ =	shalt  }
0x74: {  	_ =	shalt  }
0x75: {  	_ =	shalt  }
0x76: {  	_ =	shalt  }
0x77: {  	_ =	shalt  }
0x78: {  	_ =	shalt  }
0x79: {  	_ =	shalt  }
0x7a: {  	_ =	shalt  }
0x7b: {  	_ =	shalt  }
0x7c: {  	_ =	shalt  }
0x7d: {  	_ =	shalt  }
0x7e: {  	_ =	shalt  }
0x7f: {  	_ =	shalt  }
0x80: {  	_ =	shalt  }
0x81: {  	_ =	shalt  }
0x82: {  	_ =	shalt  }
0x83: {  	_ =	shalt  }
0x84: {  	_ =	shalt  }
0x85: {  	_ =	shalt  }
0x86: {  	_ =	shalt  }
0x87: {  	_ =	shalt  }
.Lfunc_end0:
.L_simem_size_0:
called_computation.1_lowered:
.L_overlay_start_0:
0x88: {  	s2 =	sld [smem:$0x3FD9]  }
0x89: {  	s3 =	sld [smem:$0x3FFE];
	_ =	sdelay $0x1  }
0x8a: {  	s1 =	srdreg.scid  }
0x8b: {  	s0 =	sand.u32 $0x1, s1  }
0x8c: {  	s17 =	sshll.u32 s0, $0xA;
	s2 =	sadd.s32 s3, s2  }
0x8d: {  	s2 =	sadd.s32 s2, s17  }
0x8e: {  	[smem:$0x3FC7] =	sst s2  }
0x8f: {  	_ = 	snop  }
0x90: {  	(tm) =	ssettm $0x1  }
0x91: {  	s18 =	sld [smem:$0x3FFB];
	_ =	sdelay $0x3  }
0x92: {  	_ =	strace s18  }
0x93: {  	s2 =	sld [smem:$0x3FFC];
	_ =	sdelay $0x3  }
0x94: {  	_ =	strace s2  }
0x95: {  	s2 =	sld [smem:$0x3FFD];
	_ =	sdelay $0x3  }
0x96: {  	_ =	strace s2  }
0x97: {  	_ =	strace $0x8FFFFFFF  }
0x98: {  	s19 =	sld [smem:$0x3FDB];
	_ =	sdelay $0x1  }
0x99: {  	s20 =	simm.s32 $_scs_section_size  }
0x9a: {  	s4 =	simm.s32 $_size__tile_overlayer_lowered;
	s5 =	simm.s32 $_tile_overlayer_lowered  }
0x9b: {  	s6 =	simm.s32 $0x1BFF;
	s21 =	sshll.u32 s5, $0x1;
	s3 =	sadd.s32 s20, s19  }
0x9c: {  	s22 =	simm.s32 $0x0;
	s4 =	sshll.u32 s4, $0x1;
	s5 =	sadd.s32 s21, s3  }
0x9d: {  	[timem:s22], [sflag:s6] =	dma.local [hbm:s5], s4  }
0x9e: {  	_ =	swait.ge [sflag:s6], s4  }
0x9f: {  	s4 =	ssub.s32 $0x0, s4;
	[sflag:s6] =	ssyncset.done $0x0  }
0xa0: {  	[sflag:s6] =	ssyncadd.s32 s4;
	_ =	sdelay $0x1  }
0xa1: {  	s23 =	simm.s32 $0x1B8B  }
0xa2: {  	_ =	swait.ge [sflag:s23], $0x1  }
0xa3: {  	[sflag:s23] =	ssyncset.done $0x0  }
0xa4: {  	[sflag:s23] =	ssyncadd.s32 $0xFFFFFFFF  }
0xa5: {  	s4 =	sld [smem:$0x0]  }
0xa6: {  	s5 =	sand.u32 $0xFFFFFFFE, s1  }
0xa7: {  	p0 =	sne.s32 s1, s5  }
0xa8: {  	s5 =	sshll.u32 @p0 s5, $0xE  }
0xa9: {  	s5 =	sadd.s32 @p0 $0x11B8D, s5;
	s6 =	sshll.u32 @p0 s4, $0x11  }
0xaa: {  	s5 =	sor.u32 @p0 s6, s5  }
0xab: {  	[sflag:s5] =	ssyncadd.remote.s32 @p0 $0x1;
	_ =	sdelay $0x1  }
0xac: {  	s5 =	simm.s32 @p0 $0x1B8D  }
0xad: {  	_ =	swait.eq @p0 [sflag:s5], $0x1  }
0xae: {  	[sflag:s5] =	ssyncadd.s32 @p0 $0xFFFFFFFF  }
0xaf: {  	s6 =	sshll.u32 @!p0 s1, $0xE  }
0xb0: {  	s6 =	sor.u32 @!p0 $0x4000, s6;
	s5 =	simm.s32 @!p0 $0x1B8D  }
0xb1: {  	s4 =	sshll.u32 @!p0 s4, $0x11;
	s6 =	sadd.s32 @!p0 $0x11B8D, s6;
	_ =	swait.eq @!p0 [sflag:s5], $0x1  }
0xb2: {  	s4 =	sor.u32 @!p0 s4, s6;
	[sflag:s5] =	ssyncadd.s32 @!p0 $0xFFFFFFFF  }
0xb3: {  	s25 =	simm.s32 $0x1B8E;
	s24 =	sld [smem:$0x3FFE];
	[sflag:s4] =	ssyncadd.remote.s32 @!p0 $0x1  }
0xb4: {  	s26 =	simm.s32 $execute0_lowered;
	[smem:$0x3FD2] =	sst s25  }
0xb5: {  	s5 =	sshll.u32 s26, $0x1;
	_ =	strace $0x8000004C;
	[dreg:$0x1] =	wrdreg $0xFFFFFFFF  }
0xb6: {  	s28 =	simm.s32 $_size_execute0_lowered;
	s3 =	sadd.s32 s3, s5;
	[dreg:$0x0] =	wrdreg $0x0  }
0xb7: {  	s5 =	sshll.u32 s28, $0x1;
	[dreg:$0x2] =	wrdreg s3  }
0xb8: {  	[dreg:$0x3] =	wrdreg s5  }
0xb9: {  	[dreg:$0x4] =	wrdreg $0xC0  }
0xba: {  	_ =	task [dreg:s22], $0x5FFFF  }
0xbb: {  	[dreg:$0x1] =	wrdreg $0xFFFFFFFF  }
0xbc: {  	[dreg:$0x0] =	wrdreg $0x60  }
0xbd: {  	[dreg:$0x2] =	wrdreg s24  }
0xbe: {  	[dreg:$0x3] =	wrdreg $0x9  }
0xbf: {  	_ =	task.clear_ibuf [dreg:s22], $0x4FFFF;
	_ =	strace $0x9000004C  }
0xc0: {  	s29 =	simm.s32 $0x9;
	_ =	strace $0x8000004E  }
0xc1: {  	_ =	swait.ge [sflag:s29], $0x1  }
0xc2: {  	[sflag:s29] =	ssyncadd.s32 $0xFFFFFFFF  }
0xc3: {  	_ =	strace $0x9000004E  }
0xc4: {  	_ =	sfence  }
0xc5: {  	s30 =	sld [smem:$0x0];
	_ =	sdelay $0x2  }
0xc6: {  	s31 =	sshll.u32 s1, $0xD;
	s1 =	sshrl.u32 s1, $0x2  }
0xc7: {  	s4 =	sand.u32 $0x4000, s31;
	s1 =	sadd.s32 s1, s30  }
0xc8: {  	s0 =	sor.u32 s4, s0;
	s1 =	sshll.u32 s1, $0x11  }
0xc9: {  	s0 =	sor.u32 s1, s0  }
0xca: {  	s0 =	sadd.s32 $0x8F2B, s0  }
0xcb: {  	[sflag:s0] =	ssyncadd.remote.s32 $0x1  }
0xcc: {  	_ =	sfence.sel $0xFFFF  }
0xcd: {  	[dreg:$0x0] =	wrdreg $0xFFFFFFFF;
	(pc) =	sbr.abs _section_cstart, $3  }
0xce: {  	[dreg:$0x1] =	wrdreg $0xFFFFFFFF  }
0xcf: {  	_ =	task.clear_ibuf [dreg:s22], $0x2FFFF;
	_ =	strace $0x9FFFFFFF  }
0xd0: {  	(tm) =	ssettm $0x7FFFFFFF  }
0xd1: {  	_ =	shalt  }
tec
execute0_lowered:
.L_overlay_start_1:
0x0: {  	(tag) =	ssettag $0x1  }
0x1: {  	s7 =	rddreg [dreg:$0x0]  }
0x2: {  	s0 =	rddreg [dreg:$0x1];
	_ =	strace $0x8000004D  }
0x3: {  	s1 =	srdreg.scid;
	s4 =	simm.s32 $0x1;
	s9 =	simm.s32 $0x3  }
0x4: {  	s12 =	simm.s32 $0x0;
	s10 =	simm.s32 $0x0;
	s5 =	sshll.u32 s1, $0x4  }
.Ltmp0:
0x5: {  	s1 =	stileid.u32;
	s5 =	sand.u32 $0x10, s5;
	(pc) =	sbr.rel .LBB2_1-.Ltmp0, $4  }
0x6: {  	s2 =	sadd.s32 $0x1EC00, s7;
	s3 =	sadd.s32 $0x5800, s7;
	s6 =	sor.u32 s1, s5  }
0x7: {  	[sflag:s4] =	ssyncpa.u1 $0x0;
	s5 =	simm.s32 $0x2;
	s6 =	sshll.u32 s6, $0x8  }
0x8: {  	s7 =	sadd.s32 $0xDEA00, s7;
	[sflag:s5] =	ssyncpa.u1 $0x0;
	s8 =	sadd.s32 $0x100, s6  }
0x9: {  	vm0 =	vmmov $0xff;
	vm1 =	vcmask $0x3F20;
	[sflag:s9] =	ssyncpa.u1 $0x0;
	s9 =	simm.s32 $0x100;
	s11 =	smov.u32 s6  }
.LBB2_9:
0xa: {  	p0 =	seq.s32 s10, $0x2  }
.Ltmp1:
0xb: {  	_ = 	snop;
	(pc) =	sbr.rel @p0 .LBB2_11-.Ltmp1, $1  }
0xc: {  	_ =	sdelay $0x3  }
.LBB2_10:
0xd: {  	s12 =	sadd.s32 $0x100, s11  }
0xe: {  	s13 =	smov.u32 s6;
	p0 =	slt.s32 s12, s8  }
0xf: {  	s13 =	smov.u32 @p0 s12  }
0x10: {  	s10 =	sadd.s32 $0x1, s10;
	s12 =	smov.u32 s11;
	s11 =	smov.u32 s13  }
.LBB2_1:
0x11: {  	p0 =	sne.s32 s10, $0x0  }
.Ltmp2:
0x12: {  	_ = 	snop;
	(pc) =	sbr.rel @!p0 .LBB2_2-.Ltmp2, $1  }
0x13: {  	_ =	sdelay $0x3  }
0x14: {  	s13 =	sand.u32 $0x1, s10  }
0x15: {  	p0 =	seq.s32 s13, $0x0  }
.Ltmp3:
0x16: {  	_ = 	snop;
	(pc) =	sbr.rel @p0 .LBB2_9-.Ltmp3, $1  }
0x17: {  	_ =	sdelay $0x3  }
0x18: {  	_ =	swait.ge [sflag:s5], $0x100  }
0x19: {  	[sflag:s5] =	ssyncset.done $0x0  }
0x1a: {  	s13 =	simm.s32 $0x0;
	[sflag:s5] =	ssyncadd.s32 $0xFFFFFF00  }
0x1b: {  	v0 =	vld.msk [tilespmem:s13+$0x100 ss:$0x1], $0xffff;
	_ =	sdelay $0x4  }
0x1c: {  	vm2 =	vgt.s32 v0, $0x0  }
0x1d: {  	v0 =	vnsel vm2, $0x0, v0  }
0x1e: {  	v0 =	vmin.u32 v0, $0xBFCF  }
0x1f: {  	v0 =	vshll.u32 v0, $0x4;
	_ =	sdelay $0x3  }
0x20: {  	s13 =	simm.s32 $0x8200  }
0x21: {  	[tilespmem:s13], [sflag:$0x1] =	stream.indirect_vreg.gather [hbm:s2], $0x80, v0, vm0, $0x38;
	[tilespmem:$0x10200] =	vst v63  }
0x22: {  	s14 =	simm.s32 $0x8600;
	s31 =	simm.s32 $0x10  }
0x23: {  	[tilespmem:s14], [sflag:$0x1] =	stream.indirect_vreg.gather [hbm:s2], $0x80, v0, vm1, $0x38;
	[tilespmem:$0x10200] =	vst v63  }
0x24: {  	s14 =	simm.s32 $0x80;
	v0 =	vld.msk [tilespmem:s31+$0x100 ss:$0x1], $0xffff  }
.LBB2_5:
0x25: {  	p0 =	sne.s32 s14, $0x3C0;
	_ =	sdelay $0x4  }
0x26: {  	vm2 =	vgt.s32 v0, $0x0  }
0x27: {  	v0 =	vnsel vm2, $0x0, v0  }
0x28: {  	v0 =	vmin.u32 v0, $0xBFCF  }
0x29: {  	v0 =	vshll.u32 v0, $0x4;
	_ =	sdelay $0x3  }
.Ltmp4:
0x2a: {  	s13 =	sadd.s32 $0x800, s13;
	(pc) =	sbr.rel @p0 .LBB2_5-.Ltmp4, $4  }
0x2b: {  	[tilespmem:s13], [sflag:$0x1] =	stream.indirect_vreg.gather [hbm:s2], $0x80, v0, vm0, $0x38;
	[tilespmem:$0x10200] =	vst v63  }
0x2c: {  	s15 =	sshra.s32 s14, $0x2;
	s16 =	sadd.s32 $0x400, s13  }
0x2d: {  	[tilespmem:s16], [sflag:$0x1] =	stream.indirect_vreg.gather [hbm:s2], $0x80, v0, vm1, $0x38;
	[tilespmem:$0x10200] =	vst v63  }
0x2e: {  	s14 =	sadd.s32 $0x40, s14;
	v0 =	vld.msk [tilespmem:s15+$0x100 ss:$0x1], $0xffff  }
0x2f: {  	_ =	sdelay $0x3  }
0x30: {  	vm2 =	vgt.s32 v0, $0x0  }
0x31: {  	v0 =	vnsel vm2, $0x0, v0  }
0x32: {  	v0 =	vmin.u32 v0, $0xBFCF  }
0x33: {  	v0 =	vshll.u32 v0, $0x4;
	_ =	sdelay $0x3  }
0x34: {  	s13 =	sadd.s32 $0x800, s13  }
0x35: {  	[tilespmem:s13], [sflag:$0x1] =	stream.indirect_vreg.gather [hbm:s2], $0x80, v0, vm0, $0x38;
	[tilespmem:$0x10200] =	vst v63  }
0x36: {  	s13 =	sadd.s32 $0x400, s13  }
0x37: {  	[tilespmem:s13], [sflag:$0x1] =	stream.indirect_vreg.gather [hbm:s2], $0x80, v0, vm1, $0x38;
	[tilespmem:$0x10200] =	vst v63  }
0x38: {  	s12 =	sshll.u32 s12, $0x4;
	s14 =	simm.s32 $0x80;
	_ =	swait.ge [sflag:s4], $0x8000  }
0x39: {  	s15 =	simm.s32 $0x8600;
	s12 =	sadd.s32 s12, s7;
	[sflag:s4] =	ssyncset.done $0x0  }
0x3a: {  	s16 =	sadd.s32 $0x0, s12;
	s13 =	simm.s32 $0x8200;
	[sflag:s4] =	ssyncadd.s32 $0xFFFF8000  }
.LBB2_7:
0x3b: {  	[hbm:s16] =	stream.linear.scatter [tilespmem:s13], [sflag:$0x3], $0x400, $0x38;
	[tilespmem:$0x10200] =	vst v63  }
0x3c: {  	s16 =	smov.u32 s14;
	s13 =	smov.u32 s15;
	p0 =	sne.s32 s14, $0xF80  }
.Ltmp5:
0x3d: {  	s14 =	sadd.s32 $0x80, s14;
	(pc) =	sbr.rel @p0 .LBB2_7-.Ltmp5, $2  }
0x3e: {  	_ =	sdelay $0x2  }
0x3f: {  	s15 =	sadd.s32 $0x400, s15;
	s16 =	sadd.s32 s16, s12  }
.Ltmp6:
0x40: {  	(pc) =	sbr.rel .LBB2_9-.Ltmp6, $2  }
0x41: {  	_ =	sdelay $0x2  }
0x42: {  	[hbm:s16] =	stream.linear.scatter [tilespmem:s13], [sflag:$0x3], $0x400, $0x38;
	[tilespmem:$0x10200] =	vst v63  }
.LBB2_2:
.Ltmp7:
0x43: {  	(pc) =	sbr.rel .LBB2_10-.Ltmp7, $4  }
0x44: {  	_ = 	snop  }
0x45: {  	s12 =	sshrl.u32 s11, $0x3  }
0x46: {  	s13 =	sand.u32 $0x7, s11;
	s12 =	sadd.s32 s3, s12  }
0x47: {  	[tilespmem:s9], [sflag:$0x2] =	stream.linear.gather [hbm4b:s12+s13], $0x100, $0x38;
	[tilespmem:$0x10200] =	vst v63  }
.LBB2_11:
0x48: {  	s2 =	simm.s32 $0x3  }
0x49: {  	_ =	swait.ge [sflag:s2], $0x8000  }
0x4a: {  	[sflag:s2] =	ssyncset.done $0x0  }
0x4b: {  	[sflag:s2] =	ssyncadd.s32 $0xFFFF8000  }
0x4c: {  	_ =	sfence.sel $0x180000  }
0x4d: {  	s3 =	simm.s32 $0x2;
	[bflag:$0x0] =	sbarrier.arrive $0xFFFF  }
0x4e: {  	[sflag:s3] =	ssyncpa.u1 $0x1  }
0x4f: {  	s31 =	simm.s32 $0x1;
	[sflag:s2] =	ssyncpa.u1 $0x1  }
0x50: {  	[sflag:s31] =	ssyncpa.u1 $0x1  }
0x51: {  	p0 =	sne.s32 s1, $0x0;
	_ =	strace $0x9000004D  }
0x52: {  	s0 =	sadd.s32 @!p0 $0x100000, s0;
	[bflag:$0x2] =	sbarrier.arrive $0xFFFF  }
0x53: {  	[sflag:s0] =	ssyncadd.tile.s32 @!p0 $0x1;
	_ =	shalt  }
.Lfunc_end2:
_tile_overlayer_lowered:
.L_overlay_start_2:
0x54: {  	(tag) =	ssettag $0x2  }
0x55: {  	s0 =	rddreg [dreg:$0x0];
	s2 =	stileid.u32  }
0x56: {  	s1 =	rddreg [dreg:$0x1];
	p0 =	sne.s32 s2, $0x0  }
0x57: {  	s3 =	rddreg [dreg:$0x2];
	[bflag:$0x3] =	sbarrier.arrive $0xFFFF;
	s2 =	simm.s32 @!p0 $0x1C01  }
0x58: {  	[timem:s3], [sflag:s2] =	dma.local @!p0 [hbm:s0], s1  }
0x59: {  	s0 =	simm.s32 @!p0 $0x1  }
0x5a: {  	_ =	swait.ge @!p0 [sflag:s0], s1  }
0x5b: {  	s1 =	ssub.s32 @!p0 $0x0, s1;
	[sflag:s0] =	ssyncset.done @!p0 $0x0  }
0x5c: {  	[sflag:s0] =	ssyncadd.s32 @!p0 s1  }
0x5d: {  	[bflag:$0x3] =	sbarrier.arrive $0xFFFF  }
0x5e: {  	_ =	shalt  }

// kernel: gather_offload_async_start.2
scs
__scs_entry_jumppad:
0x0: {  	(pc) =	sbr.rel $0x88, $3  }
0x1: {  	(tag) =	ssettag $0x0;
	lr =	simm.s32 $0x1  }
0x2: {  	[smem:$0x3FA0] =	sst lr;
	_ =	strace $0xD0000000  }
0x3: {  	_ = 	snop  }
0x4: {  	_ = 	snop  }
0x5: {  	_ = 	snop  }
0x6: {  	_ = 	snop  }
0x7: {  	_ = 	snop  }
__scs_overlays_trampoline_lowered:
0x8: {  	[smem:$0x3FAF] =	sst s0  }
0x9: {  	[smem:$0x3FB0] =	sst s1  }
0xa: {  	[smem:$0x3FB1] =	sst s2  }
0xb: {  	[smem:$0x3FB2] =	sst s3  }
0xc: {  	[smem:$0x3FB3] =	sst s4  }
0xd: {  	[smem:$0x3FB4] =	sst s5  }
0xe: {  	[smem:$0x3FB5] =	sst s6  }
0xf: {  	[smem:$0x3FB6] =	sst s7  }
0x10: {  	[smem:$0x3FB7] =	sst s8  }
0x11: {  	[smem:$0x3FB8] =	sst s9;
	s0 =	simm.s32 @!p0 $0x0  }
0x12: {  	s1 =	sld [smem:$0x3F9E];
	s0 =	simm.s32 @p0 $0x1  }
0x13: {  	[smem:$0x3FB9] =	sst s0;
	s0 =	simm.s32 @!p1 $0x0  }
0x14: {  	s2 =	sld [smem:$0x3F9D];
	s0 =	simm.s32 @p1 $0x1  }
0x15: {  	[smem:$0x3FBA] =	sst s0;
	s0 =	simm.s32 @!p2 $0x0  }
0x16: {  	s3 =	sld [smem:$0x3FDB];
	s0 =	simm.s32 @p2 $0x1  }
0x17: {  	s4 =	simm.s32 $0x1BF5;
	[smem:$0x3FBC] =	sst s0  }
0x18: {  	s0 =	sld [smem:$0x3F9F];
	_ =	swait.ge [sflag:s4], $0x0  }
0x19: {  	s7 =	sld [smem:$0x3FA0]  }
0x1a: {  	s8 =	sadd.s32 $0xFFFFE003, lr  }
0x1b: {  	s9 =	sadd.s32 $0xFFFFFEF7, lr;
	s5 =	simm.s32 $0xFFFFFFFF;
	p2 =	slt.u32 s8, $0xFFFFF086  }
0x1c: {  	p1 =	slt.u32 s9, $0xF7A;
	s5 =	simm.s32 @!p2 $0x0  }
0x1d: {  	s5 =	simm.s32 @p1 $0x1;
	p0 =	seq.s32 s7, s2  }
0x1e: {  	s7 =	smul.u32 @!p0 $0xF7A, s2;
	p2 =	seq.s32 @!p0 s5, $0x0  }
0x1f: {  	s9 =	smul.u32 $0xF7A, s1;
	s8 =	simm.s32 @!p0 $0x1BF5;
	p2 =	por !p2, p0  }
0x20: {  	[sflag:s8] =	ssyncset.s32 @!p0 $0xFFFFF086;
	s6 =	sadd.s32 @!p0 s3, s7;
	s7 =	simm.s32 @!p0 $0x108  }
0x21: {  	s3 =	sadd.s32 s3, s9;
	s6 =	sadd.s32 @!p0 $0x88, s6;
	s7 =	simm.s32 @p2 $0x1082  }
0x22: {  	[simem:s7], [sflag:s8] =	dma.local @!p0 [hbm:s6], $0xF7A  }
0x23: {  	s9 =	sor.u32 $0xD0000000, s2;
	s6 =	simm.s32 $0x108;
	_ =	swait.ge @!p0 [sflag:s8], $0x0  }
0x24: {  	s3 =	sadd.s32 $0x88, s3;
	s6 =	simm.s32 @!p1 $0x1082;
	[sflag:s4] =	ssyncset.s32 $0xFFFFF086  }
0x25: {  	[simem:s6], [sflag:s4] =	dma.local [hbm:s3], $0xF7A  }
0x26: {  	[smem:$0x3FA0] =	sst s1;
	(tag) =	ssettag s2;
	_ =	strace s9  }
0x27: {  	s1 =	sld [smem:$0x3FB0]  }
0x28: {  	s2 =	sld [smem:$0x3FB1]  }
0x29: {  	s4 =	sld [smem:$0x3FB3]  }
0x2a: {  	p0 =	seq.s32 s5, $0x0;
	s5 =	sld [smem:$0x3FB4]  }
0x2b: {  	s6 =	sld [smem:$0x3FB5]  }
0x2c: {  	s7 =	sld [smem:$0x3FB6]  }
0x2d: {  	s3 =	simm.s32 $0x108;
	s8 =	sld [smem:$0x3FB7]  }
0x2e: {  	s3 =	simm.s32 @!p0 $0x1082;
	s9 =	sld [smem:$0x3FB8]  }
0x2f: {  	lr =	sadd.s32 s0, s3;
	s0 =	sld [smem:$0x3FAF]  }
0x30: {  	s3 =	sld [smem:$0x3FB2]  }
0x31: {  	[smem:$0x3FBB] =	sst s10  }
0x32: {  	s10 =	sld [smem:$0x3FB9];
	_ =	sdelay $0x3  }
0x33: {  	p0 =	seq.s32 s10, $0x1;
	s10 =	sld [smem:$0x3FBB];
	_ =	sdelay $0x3  }
0x34: {  	[smem:$0x3FBB] =	sst s10  }
0x35: {  	s10 =	sld [smem:$0x3FBA];
	_ =	sdelay $0x3  }
0x36: {  	p1 =	seq.s32 s10, $0x1;
	s10 =	sld [smem:$0x3FBB];
	_ =	sdelay $0x3  }
0x37: {  	[smem:$0x3FBB] =	sst s10  }
0x38: {  	s10 =	sld [smem:$0x3FBC]  }
0x39: {  	_ = 	snop;
	(pc) =	sbr.ind lr, $3  }
0x3a: {  	_ = 	snop  }
0x3b: {  	_ = 	snop  }
0x3c: {  	p2 =	seq.s32 s10, $0x1;
	s10 =	sld [smem:$0x3FBB]  }
0x3d: {  	_ =	shalt  }
0x3e: {  	_ =	shalt  }
0x3f: {  	_ =	shalt  }
0x40: {  	_ =	shalt  }
0x41: {  	_ =	shalt  }
0x42: {  	_ =	shalt  }
0x43: {  	_ =	shalt  }
0x44: {  	_ =	shalt  }
0x45: {  	_ =	shalt  }
0x46: {  	_ =	shalt  }
0x47: {  	_ =	shalt  }
0x48: {  	_ =	shalt  }
0x49: {  	_ =	shalt  }
0x4a: {  	_ =	shalt  }
0x4b: {  	_ =	shalt  }
0x4c: {  	_ =	shalt  }
0x4d: {  	_ =	shalt  }
0x4e: {  	_ =	shalt  }
0x4f: {  	_ =	shalt  }
0x50: {  	_ =	shalt  }
0x51: {  	_ =	shalt  }
0x52: {  	_ =	shalt  }
0x53: {  	_ =	shalt  }
0x54: {  	_ =	shalt  }
0x55: {  	_ =	shalt  }
0x56: {  	_ =	shalt  }
0x57: {  	_ =	shalt  }
0x58: {  	_ =	shalt  }
0x59: {  	_ =	shalt  }
0x5a: {  	_ =	shalt  }
0x5b: {  	_ =	shalt  }
0x5c: {  	_ =	shalt  }
0x5d: {  	_ =	shalt  }
0x5e: {  	_ =	shalt  }
0x5f: {  	_ =	shalt  }
0x60: {  	_ =	shalt  }
0x61: {  	_ =	shalt  }
0x62: {  	_ =	shalt  }
0x63: {  	_ =	shalt  }
0x64: {  	_ =	shalt  }
0x65: {  	_ =	shalt  }
0x66: {  	_ =	shalt  }
0x67: {  	_ =	shalt  }
0x68: {  	_ =	shalt  }
0x69: {  	_ =	shalt  }
0x6a: {  	_ =	shalt  }
0x6b: {  	_ =	shalt  }
0x6c: {  	_ =	shalt  }
0x6d: {  	_ =	shalt  }
0x6e: {  	_ =	shalt  }
0x6f: {  	_ =	shalt  }
0x70: {  	_ =	shalt  }
0x71: {  	_ =	shalt  }
0x72: {  	_ =	shalt  }
0x73: {  	_ =	shalt  }
0x74: {  	_ =	shalt  }
0x75: {  	_ =	shalt  }
0x76: {  	_ =	shalt  }
0x77: {  	_ =	shalt  }
0x78: {  	_ =	shalt  }
0x79: {  	_ =	shalt  }
0x7a: {  	_ =	shalt  }
0x7b: {  	_ =	shalt  }
0x7c: {  	_ =	shalt  }
0x7d: {  	_ =	shalt  }
0x7e: {  	_ =	shalt  }
0x7f: {  	_ =	shalt  }
0x80: {  	_ =	shalt  }
0x81: {  	_ =	shalt  }
0x82: {  	_ =	shalt  }
0x83: {  	_ =	shalt  }
0x84: {  	_ =	shalt  }
0x85: {  	_ =	shalt  }
0x86: {  	_ =	shalt  }
0x87: {  	_ =	shalt  }
.Lfunc_end0:
.L_simem_size_0:
called_computation.2_lowered:
.L_overlay_start_0:
0x88: {  	s2 =	sld [smem:$0x3FD9]  }
0x89: {  	s3 =	sld [smem:$0x3FFE];
	_ =	sdelay $0x1  }
0x8a: {  	s1 =	srdreg.scid  }
0x8b: {  	s0 =	sand.u32 $0x1, s1  }
0x8c: {  	s17 =	sshll.u32 s0, $0xA;
	s2 =	sadd.s32 s3, s2  }
0x8d: {  	s2 =	sadd.s32 s2, s17  }
0x8e: {  	[smem:$0x3FC7] =	sst s2  }
0x8f: {  	_ = 	snop  }
0x90: {  	(tm) =	ssettm $0x1  }
0x91: {  	s18 =	sld [smem:$0x3FFB];
	_ =	sdelay $0x3  }
0x92: {  	_ =	strace s18  }
0x93: {  	s2 =	sld [smem:$0x3FFC];
	_ =	sdelay $0x3  }
0x94: {  	_ =	strace s2  }
0x95: {  	s2 =	sld [smem:$0x3FFD];
	_ =	sdelay $0x3  }
0x96: {  	_ =	strace s2  }
0x97: {  	_ =	strace $0x8FFFFFFF  }
0x98: {  	s19 =	sld [smem:$0x3FDB];
	_ =	sdelay $0x1  }
0x99: {  	s20 =	simm.s32 $_scs_section_size  }
0x9a: {  	s4 =	simm.s32 $_size__tile_overlayer_lowered;
	s5 =	simm.s32 $_tile_overlayer_lowered  }
0x9b: {  	s6 =	simm.s32 $0x1BFF;
	s21 =	sshll.u32 s5, $0x1;
	s3 =	sadd.s32 s20, s19  }
0x9c: {  	s22 =	simm.s32 $0x0;
	s4 =	sshll.u32 s4, $0x1;
	s5 =	sadd.s32 s21, s3  }
0x9d: {  	[timem:s22], [sflag:s6] =	dma.local [hbm:s5], s4  }
0x9e: {  	_ =	swait.ge [sflag:s6], s4  }
0x9f: {  	s4 =	ssub.s32 $0x0, s4;
	[sflag:s6] =	ssyncset.done $0x0  }
0xa0: {  	[sflag:s6] =	ssyncadd.s32 s4;
	_ =	sdelay $0x1  }
0xa1: {  	s23 =	simm.s32 $0x1B8B  }
0xa2: {  	_ =	swait.ge [sflag:s23], $0x1  }
0xa3: {  	[sflag:s23] =	ssyncset.done $0x0  }
0xa4: {  	[sflag:s23] =	ssyncadd.s32 $0xFFFFFFFF  }
0xa5: {  	s4 =	sld [smem:$0x0]  }
0xa6: {  	s5 =	sand.u32 $0xFFFFFFFE, s1  }
0xa7: {  	p0 =	sne.s32 s1, s5  }
0xa8: {  	s5 =	sshll.u32 @p0 s5, $0xE  }
0xa9: {  	s5 =	sadd.s32 @p0 $0x11B8D, s5;
	s6 =	sshll.u32 @p0 s4, $0x11  }
0xaa: {  	s5 =	sor.u32 @p0 s6, s5  }
0xab: {  	[sflag:s5] =	ssyncadd.remote.s32 @p0 $0x1;
	_ =	sdelay $0x1  }
0xac: {  	s5 =	simm.s32 @p0 $0x1B8D  }
0xad: {  	_ =	swait.eq @p0 [sflag:s5], $0x1  }
0xae: {  	[sflag:s5] =	ssyncadd.s32 @p0 $0xFFFFFFFF  }
0xaf: {  	s6 =	sshll.u32 @!p0 s1, $0xE  }
0xb0: {  	s6 =	sor.u32 @!p0 $0x4000, s6;
	s5 =	simm.s32 @!p0 $0x1B8D  }
0xb1: {  	s4 =	sshll.u32 @!p0 s4, $0x11;
	s6 =	sadd.s32 @!p0 $0x11B8D, s6;
	_ =	swait.eq @!p0 [sflag:s5], $0x1  }
0xb2: {  	s4 =	sor.u32 @!p0 s4, s6;
	[sflag:s5] =	ssyncadd.s32 @!p0 $0xFFFFFFFF  }
0xb3: {  	s25 =	simm.s32 $0x1B8E;
	s24 =	sld [smem:$0x3FFE];
	[sflag:s4] =	ssyncadd.remote.s32 @!p0 $0x1  }
0xb4: {  	s26 =	simm.s32 $execute0_lowered;
	[smem:$0x3FD2] =	sst s25  }
0xb5: {  	s5 =	sshll.u32 s26, $0x1;
	_ =	strace $0x8000004F;
	[dreg:$0x1] =	wrdreg $0xFFFFFFFF  }
0xb6: {  	s28 =	simm.s32 $_size_execute0_lowered;
	s3 =	sadd.s32 s3, s5;
	[dreg:$0x0] =	wrdreg $0x0  }
0xb7: {  	s5 =	sshll.u32 s28, $0x1;
	[dreg:$0x2] =	wrdreg s3  }
0xb8: {  	[dreg:$0x3] =	wrdreg s5  }
0xb9: {  	[dreg:$0x4] =	wrdreg $0xC0  }
0xba: {  	_ =	task [dreg:s22], $0x5FFFF  }
0xbb: {  	[dreg:$0x1] =	wrdreg $0xFFFFFFFF  }
0xbc: {  	[dreg:$0x0] =	wrdreg $0x60  }
0xbd: {  	[dreg:$0x2] =	wrdreg s24  }
0xbe: {  	[dreg:$0x3] =	wrdreg $0xA  }
0xbf: {  	_ =	task.clear_ibuf [dreg:s22], $0x4FFFF;
	_ =	strace $0x9000004F  }
0xc0: {  	s29 =	simm.s32 $0xA;
	_ =	strace $0x80000051  }
0xc1: {  	_ =	swait.ge [sflag:s29], $0x1  }
0xc2: {  	[sflag:s29] =	ssyncadd.s32 $0xFFFFFFFF  }
0xc3: {  	_ =	strace $0x90000051  }
0xc4: {  	_ =	sfence  }
0xc5: {  	s30 =	sld [smem:$0x0];
	_ =	sdelay $0x2  }
0xc6: {  	s31 =	sshll.u32 s1, $0xD;
	s1 =	sshrl.u32 s1, $0x2  }
0xc7: {  	s4 =	sand.u32 $0x4000, s31;
	s1 =	sadd.s32 s1, s30  }
0xc8: {  	s0 =	sor.u32 s4, s0;
	s1 =	sshll.u32 s1, $0x11  }
0xc9: {  	s0 =	sor.u32 s1, s0  }
0xca: {  	s0 =	sadd.s32 $0x8F2B, s0  }
0xcb: {  	[sflag:s0] =	ssyncadd.remote.s32 $0x1  }
0xcc: {  	_ =	sfence.sel $0xFFFF  }
0xcd: {  	[dreg:$0x0] =	wrdreg $0xFFFFFFFF;
	(pc) =	sbr.abs _section_cstart, $3  }
0xce: {  	[dreg:$0x1] =	wrdreg $0xFFFFFFFF  }
0xcf: {  	_ =	task.clear_ibuf [dreg:s22], $0x2FFFF;
	_ =	strace $0x9FFFFFFF  }
0xd0: {  	(tm) =	ssettm $0x7FFFFFFF  }
0xd1: {  	_ =	shalt  }
tec
execute0_lowered:
.L_overlay_start_1:
0x0: {  	(tag) =	ssettag $0x1  }
0x1: {  	s1 =	srdreg.scid  }
0x2: {  	s0 =	stileid.u32;
	s6 =	rddreg [dreg:$0x0]  }
0x3: {  	s5 =	simm.s32 $0x2;
	s10 =	simm.s32 $0x3;
	s1 =	sshll.u32 s1, $0x8  }
0x4: {  	s12 =	simm.s32 $0x0;
	s2 =	sshll.u32 s0, $0x9;
	s3 =	sand.u32 $0x100, s1  }
0x5: {  	s11 =	simm.s32 $0x0;
	s1 =	rddreg [dreg:$0x1];
	s2 =	sor.u32 s2, s3  }
0x6: {  	_ =	strace $0x80000050;
	s3 =	sadd.s32 $0xFEE00, s6;
	s4 =	sshrl.u32 s2, $0x3  }
0x7: {  	s7 =	ssub.s32 $0x2000, s2;
	s8 =	sadd.s32 s4, s6;
	s4 =	simm.s32 $0x1  }
.Ltmp0:
0x8: {  	s9 =	sand.u32 $0x1F00, s7;
	s7 =	sshrl.u32 s7, $0xD;
	(pc) =	sbr.rel .LBB2_1-.Ltmp0, $4  }
0x9: {  	s6 =	sadd.s32 $0x5C00, s6;
	p0 =	sne.s32 s9, $0x0;
	s9 =	simm.s32 $0x1  }
0xa: {  	[sflag:s4] =	ssyncpa.u1 $0x0;
	s8 =	sadd.s32 $0xFEA00, s8;
	s9 =	simm.s32 @!p0 $0x0  }
0xb: {  	[sflag:s5] =	ssyncpa.u1 $0x0;
	p0 =	por $0x0, $0x0;
	s7 =	sadd.s32 s9, s7  }
0xc: {  	vm0 =	vmmov $0xffff;
	[sflag:s10] =	ssyncpa.u1 $0x0;
	s10 =	simm.s32 $0x0;
	s9 =	sadd.s32 $0x1, s7  }
.LBB2_4:
0xd: {  	_ =	sdelay $0x3  }
0xe: {  	[tilespmem:s20], [sflag:$0x1] =	stream.indirect_vreg.gather [hbm4b:s3+s10], $0x1, v0, vm0, $0x4038;
	[tilespmem:$0xA00] =	vst v63  }
0xf: {  	s14 =	sadd.s32 s17, s14  }
0x10: {  	v0 =	vld.msk [tilespmem:s14+$0x0 ss:$0x1], $0xffff;
	_ =	sdelay $0x4  }
0x11: {  	v1 =	vshrl.u32 v0, $0x3  }
0x12: {  	v2 =	vand.u32 $0x7, v0;
	vm1 =	veq.s32 v0, $0x80000000;
	v60 =	vand.u32 $0xFFFF, v1  }
0x13: {  	v61 =	vmul.u32 $0x30000, v2;
	v0 =	vsel vm1, $0xFFFFFFFF, v60  }
0x14: {  	v62 =	vshll.u32 v0, $0x2  }
0x15: {  	v1 =	vsel vm1, $0xFFFD0000, v61;
	v2 =	vand.u32 $0xFFFFFE00, v62  }
0x16: {  	v0 =	vand.u32 $0x7F, v0;
	v1 =	vadd.s32 v1, v2  }
0x17: {  	v0 =	vor.u32 v0, v1;
	_ =	sdelay $0x1  }
0x18: {  	s28 =	sand.u32 $0x200, s16  }
0x19: {  	s15 =	sand.u32 $0x70, s15;
	(ifvalue) =	ssetifvalue $0x7FFFFFFF;
	s14 =	sadd.s32 s28, s13;
	v1 =	vor.u32 $0x80, v0  }
0x1a: {  	s14 =	sadd.s32 s15, s14;
	(ifvalue) =	ssetifvalue $0x7FFFFFFF  }
0x1b: {  	[tilespmem:s14], [sflag:$0x1] =	stream.indirect_vreg.gather [hbm4b:s3+s10], $0x1, v0, vm0, $0x4038;
	[tilespmem:$0xA00] =	vst v63  }
0x1c: {  	v63 =	vor.u32 $0x100, v0;
	(ifvalue) =	ssetifvalue $0x7FFFFFFF  }
0x1d: {  	s15 =	sadd.s32 $0x80, s14;
	(ifvalue) =	ssetifvalue $0x7FFFFFFF  }
0x1e: {  	[tilespmem:s15], [sflag:$0x1] =	stream.indirect_vreg.gather [hbm4b:s3+s10], $0x1, v1, vm0, $0x4038;
	[tilespmem:$0xA00] =	vst v63  }
0x1f: {  	v0 =	vor.u32 $0x180, v0;
	(ifvalue) =	ssetifvalue $0x7FFFFFFF  }
0x20: {  	s29 =	sadd.s32 $0x100, s14;
	(ifvalue) =	ssetifvalue $0x7FFFFFFF  }
0x21: {  	[tilespmem:s29], [sflag:$0x1] =	stream.indirect_vreg.gather [hbm4b:s3+s10], $0x1, v63, vm0, $0x4038;
	[tilespmem:$0xA00] =	vst v63  }
0x22: {  	(ifvalue) =	ssetifvalue $0x7FFFFFFF  }
0x23: {  	s30 =	sshll.u32 s12, $0x2;
	s14 =	sadd.s32 $0x180, s14;
	(ifvalue) =	ssetifvalue $0x7FFFFFFF  }
0x24: {  	[tilespmem:s14], [sflag:$0x1] =	stream.indirect_vreg.gather [hbm4b:s3+s10], $0x1, v0, vm0, $0x4038;
	[tilespmem:$0xA00] =	vst v63  }
0x25: {  	s31 =	sand.u32 $0x78, s12;
	s14 =	sand.u32 $0x7FFFFE00, s30  }
0x26: {  	_ =	swait.ge [sflag:s4], $0x400;
	s12 =	sor.u32 s31, s14  }
0x27: {  	[sflag:s4] =	ssyncset.done $0x0;
	s12 =	sshrl.u32 s12, $0x3  }
0x28: {  	[sflag:s4] =	ssyncadd.s32 $0xFFFFFC00;
	s12 =	sadd.s32 s6, s12  }
0x29: {  	[hbm:s12] =	stream.linear.scatter [tilespmem:s13], [sflag:$0x3], $0x400, $0x38;
	[tilespmem:$0xA00] =	vst v63  }
.LBB2_5:
0x2a: {  	p2 =	sne.s32 s11, s9  }
.Ltmp1:
0x2b: {  	p1 =	slt.u32 s11, $0x2;
	(pc) =	sbr.rel @!p2 .LBB2_6-.Ltmp1, $4  }
0x2c: {  	s12 =	simm.s32 @!p1 $0x3  }
0x2d: {  	_ =	swait.ge @!p1 [sflag:s12], $0x400  }
0x2e: {  	s13 =	sadd.s32 $0x1, s11;
	p0 =	por !p0, !p0;
	[sflag:s12] =	ssyncset.done @!p1 $0x0  }
0x2f: {  	s11 =	smov.u32 s13;
	[sflag:s12] =	ssyncadd.s32 @!p1 $0xFFFFFC00;
	s12 =	smov.u32 s2  }
.LBB2_1:
0x30: {  	p1 =	sge.u32 s11, s7  }
0x31: {  	s13 =	sxor.u32 @!p1 $0xFFFFFFFF, s11  }
0x32: {  	s13 =	sshll.u32 @!p1 s13, $0x8  }
0x33: {  	s31 =	sadd.s32 $0xFFFFFFFF, s11;
	s14 =	simm.s32 @!p1 $0x0;
	s13 =	sand.u32 @!p1 $0x100, s13  }
0x34: {  	[tilespmem:s13], [sflag:$0x2] =	stream.linear.gather @!p1 [hbm4b:s8+s14], $0x100, $0x38;
	[tilespmem:$0xA00] =	vst v63  }
0x35: {  	p1 =	sge.u32 s31, s7  }
.Ltmp2:
0x36: {  	_ = 	snop;
	(pc) =	sbr.rel @p1 .LBB2_5-.Ltmp2, $1  }
0x37: {  	_ =	sdelay $0x3  }
0x38: {  	s13 =	simm.s32 $0x1  }
0x39: {  	_ =	swait.ge [sflag:s5], $0x100;
	s13 =	simm.s32 @!p0 $0x0  }
0x3a: {  	[sflag:s5] =	ssyncset.done $0x0;
	s14 =	sshll.u32 s13, $0x8  }
0x3b: {  	[sflag:s5] =	ssyncadd.s32 $0xFFFFFF00;
	s13 =	sadd.s32 $0x0, s14  }
0x3c: {  	v0 =	vld.msk [tilespmem:s13+$0x0 ss:$0x1], $0xffff;
	_ =	sdelay $0x4  }
0x3d: {  	v1 =	vshrl.u32 v0, $0x3  }
0x3e: {  	v2 =	vand.u32 $0x7, v0;
	vm1 =	veq.s32 v0, $0x80000000;
	v0 =	vand.u32 $0xFFFF, v1  }
0x3f: {  	v1 =	vmul.u32 $0x30000, v2;
	v0 =	vsel vm1, $0xFFFFFFFF, v0  }
0x40: {  	v2 =	vshll.u32 v0, $0x2  }
0x41: {  	v1 =	vsel vm1, $0xFFFD0000, v1;
	v2 =	vand.u32 $0xFFFFFE00, v2  }
0x42: {  	v0 =	vand.u32 $0x7F, v0;
	v1 =	vadd.s32 v1, v2  }
0x43: {  	s31 =	sshll.u32 s11, $0xA;
	v0 =	vor.u32 v0, v1  }
0x44: {  	s15 =	simm.s32 $0x0;
	s13 =	sand.u32 $0x400, s31  }
0x45: {  	s16 =	sand.u32 $0x200, s15;
	s13 =	sor.u32 $0x200, s13  }
0x46: {  	s15 =	sand.u32 $0x70, s15;
	(ifvalue) =	ssetifvalue $0x7FFFFFFF;
	s16 =	sadd.s32 s16, s13;
	v1 =	vor.u32 $0x80, v0  }
0x47: {  	(ifvalue) =	ssetifvalue $0x7FFFFFFF;
	s20 =	sadd.s32 s15, s16  }
0x48: {  	[tilespmem:s20], [sflag:$0x1] =	stream.indirect_vreg.gather [hbm4b:s3+s10], $0x1, v0, vm0, $0x4038;
	[tilespmem:$0xA00] =	vst v63  }
0x49: {  	v2 =	vor.u32 $0x100, v0;
	(ifvalue) =	ssetifvalue $0x7FFFFFFF  }
0x4a: {  	s15 =	sadd.s32 $0x80, s20;
	(ifvalue) =	ssetifvalue $0x7FFFFFFF  }
0x4b: {  	[tilespmem:s15], [sflag:$0x1] =	stream.indirect_vreg.gather [hbm4b:s3+s10], $0x1, v1, vm0, $0x4038;
	[tilespmem:$0xA00] =	vst v63  }
0x4c: {  	s18 =	simm.s32 $0x20;
	v0 =	vor.u32 $0x180, v0;
	(ifvalue) =	ssetifvalue $0x7FFFFFFF  }
0x4d: {  	s19 =	simm.s32 $0x80;
	s17 =	sadd.s32 $0x100, s20;
	(ifvalue) =	ssetifvalue $0x7FFFFFFF  }
0x4e: {  	[tilespmem:s17], [sflag:$0x1] =	stream.indirect_vreg.gather [hbm4b:s3+s10], $0x1, v2, vm0, $0x4038;
	[tilespmem:$0xA00] =	vst v63  }
0x4f: {  	s16 =	simm.s32 $0x40;
	s20 =	sadd.s32 $0x180, s20;
	(ifvalue) =	ssetifvalue $0x7FFFFFFF  }
0x50: {  	s15 =	simm.s32 $0x10;
	s17 =	simm.s32 $0x10;
	(ifvalue) =	ssetifvalue $0x7FFFFFFF  }
.LBB2_3:
0x51: {  	[tilespmem:s20], [sflag:$0x1] =	stream.indirect_vreg.gather [hbm4b:s3+s10], $0x1, v0, vm0, $0x4038;
	[tilespmem:$0xA00] =	vst v63  }
0x52: {  	p1 =	sne.s32 s18, $0xF0;
	s20 =	sadd.s32 s17, s14;
	s17 =	sshra.s32 s19, $0x2  }
0x53: {  	v0 =	vld.msk [tilespmem:s20+$0x0 ss:$0x1], $0xffff;
	s20 =	smov.u32 s18;
	s18 =	sadd.s32 $0x10, s18  }
0x54: {  	(ifvalue) =	ssetifvalue $0x7FFFFFFF;
	_ =	sdelay $0x4  }
0x55: {  	v1 =	vand.u32 $0x7, v0;
	v2 =	vshrl.u32 v0, $0x3  }
0x56: {  	vm1 =	veq.s32 v0, $0x80000000;
	v0 =	vand.u32 $0xFFFF, v2;
	v1 =	vmul.u32 $0x30000, v1  }
0x57: {  	v0 =	vsel vm1, $0xFFFFFFFF, v0  }
0x58: {  	v1 =	vsel vm1, $0xFFFD0000, v1;
	v2 =	vshll.u32 v0, $0x2  }
0x59: {  	v2 =	vand.u32 $0xFFFFFE00, v2  }
0x5a: {  	v0 =	vand.u32 $0x7F, v0;
	v1 =	vadd.s32 v1, v2  }
0x5b: {  	v0 =	vor.u32 v0, v1;
	_ =	sdelay $0x1  }
0x5c: {  	s21 =	sand.u32 $0x200, s16;
	s16 =	smov.u32 s19  }
0x5d: {  	s22 =	sand.u32 $0x70, s15;
	s21 =	sadd.s32 s21, s13;
	s15 =	smov.u32 s20;
	v1 =	vor.u32 $0x80, v0  }
0x5e: {  	s20 =	sadd.s32 s22, s21;
	(ifvalue) =	ssetifvalue $0x7FFFFFFF  }
0x5f: {  	[tilespmem:s20], [sflag:$0x1] =	stream.indirect_vreg.gather [hbm4b:s3+s10], $0x1, v0, vm0, $0x4038;
	[tilespmem:$0xA00] =	vst v63  }
0x60: {  	v2 =	vor.u32 $0x100, v0;
	(ifvalue) =	ssetifvalue $0x7FFFFFFF  }
0x61: {  	s21 =	sadd.s32 $0x80, s20;
	(ifvalue) =	ssetifvalue $0x7FFFFFFF  }
0x62: {  	[tilespmem:s21], [sflag:$0x1] =	stream.indirect_vreg.gather [hbm4b:s3+s10], $0x1, v1, vm0, $0x4038;
	[tilespmem:$0xA00] =	vst v63  }
.Ltmp3:
0x63: {  	v0 =	vor.u32 $0x180, v0;
	(ifvalue) =	ssetifvalue $0x7FFFFFFF;
	(pc) =	sbr.rel @p1 .LBB2_3-.Ltmp3, $4  }
0x64: {  	s21 =	sadd.s32 $0x100, s20;
	(ifvalue) =	ssetifvalue $0x7FFFFFFF  }
0x65: {  	[tilespmem:s21], [sflag:$0x1] =	stream.indirect_vreg.gather [hbm4b:s3+s10], $0x1, v2, vm0, $0x4038;
	[tilespmem:$0xA00] =	vst v63  }
0x66: {  	(ifvalue) =	ssetifvalue $0x7FFFFFFF  }
0x67: {  	s19 =	sadd.s32 $0x40, s19;
	s20 =	sadd.s32 $0x180, s20;
	(ifvalue) =	ssetifvalue $0x7FFFFFFF  }
.Ltmp4:
0x68: {  	_ = 	snop;
	(pc) =	sbr.rel .LBB2_4-.Ltmp4, $1  }
0x69: {  	_ =	sdelay $0x3  }
.LBB2_6:
0x6a: {  	_ =	sfence.sel $0x180000  }
0x6b: {  	s2 =	simm.s32 $0x2;
	[bflag:$0x0] =	sbarrier.arrive $0xFFFF  }
0x6c: {  	s30 =	simm.s32 $0x3;
	[sflag:s2] =	ssyncpa.u1 $0x1  }
0x6d: {  	s31 =	simm.s32 $0x1;
	[sflag:s30] =	ssyncpa.u1 $0x1  }
0x6e: {  	[sflag:s31] =	ssyncpa.u1 $0x1  }
0x6f: {  	p0 =	sne.s32 s0, $0x0;
	_ =	strace $0x90000050  }
0x70: {  	s0 =	sadd.s32 @!p0 $0x100000, s1;
	[bflag:$0x2] =	sbarrier.arrive $0xFFFF  }
0x71: {  	[sflag:s0] =	ssyncadd.tile.s32 @!p0 $0x1;
	_ =	shalt  }
.Lfunc_end2:
_tile_overlayer_lowered:
.L_overlay_start_2:
0x72: {  	(tag) =	ssettag $0x2  }
0x73: {  	s0 =	rddreg [dreg:$0x0];
	s2 =	stileid.u32  }
0x74: {  	s1 =	rddreg [dreg:$0x1];
	p0 =	sne.s32 s2, $0x0  }
0x75: {  	s3 =	rddreg [dreg:$0x2];
	[bflag:$0x3] =	sbarrier.arrive $0xFFFF;
	s2 =	simm.s32 @!p0 $0x1C01  }
0x76: {  	[timem:s3], [sflag:s2] =	dma.local @!p0 [hbm:s0], s1  }
0x77: {  	s0 =	simm.s32 @!p0 $0x1  }
0x78: {  	_ =	swait.ge @!p0 [sflag:s0], s1  }
0x79: {  	s1 =	ssub.s32 @!p0 $0x0, s1;
	[sflag:s0] =	ssyncset.done @!p0 $0x0  }
0x7a: {  	[sflag:s0] =	ssyncadd.s32 @!p0 s1  }
0x7b: {  	[bflag:$0x3] =	sbarrier.arrive $0xFFFF  }
0x7c: {  	_ =	shalt  }

// kernel: gather_offload_async_start.3
scs
__scs_entry_jumppad:
0x0: {  	(pc) =	sbr.rel $0x88, $3  }
0x1: {  	(tag) =	ssettag $0x0;
	lr =	simm.s32 $0x1  }
0x2: {  	[smem:$0x3FA0] =	sst lr;
	_ =	strace $0xD0000000  }
0x3: {  	_ = 	snop  }
0x4: {  	_ = 	snop  }
0x5: {  	_ = 	snop  }
0x6: {  	_ = 	snop  }
0x7: {  	_ = 	snop  }
__scs_overlays_trampoline_lowered:
0x8: {  	[smem:$0x3FAF] =	sst s0  }
0x9: {  	[smem:$0x3FB0] =	sst s1  }
0xa: {  	[smem:$0x3FB1] =	sst s2  }
0xb: {  	[smem:$0x3FB2] =	sst s3  }
0xc: {  	[smem:$0x3FB3] =	sst s4  }
0xd: {  	[smem:$0x3FB4] =	sst s5  }
0xe: {  	[smem:$0x3FB5] =	sst s6  }
0xf: {  	[smem:$0x3FB6] =	sst s7  }
0x10: {  	[smem:$0x3FB7] =	sst s8  }
0x11: {  	[smem:$0x3FB8] =	sst s9;
	s0 =	simm.s32 @!p0 $0x0  }
0x12: {  	s1 =	sld [smem:$0x3F9E];
	s0 =	simm.s32 @p0 $0x1  }
0x13: {  	[smem:$0x3FB9] =	sst s0;
	s0 =	simm.s32 @!p1 $0x0  }
0x14: {  	s2 =	sld [smem:$0x3F9D];
	s0 =	simm.s32 @p1 $0x1  }
0x15: {  	[smem:$0x3FBA] =	sst s0;
	s0 =	simm.s32 @!p2 $0x0  }
0x16: {  	s3 =	sld [smem:$0x3FDB];
	s0 =	simm.s32 @p2 $0x1  }
0x17: {  	s4 =	simm.s32 $0x1BF5;
	[smem:$0x3FBC] =	sst s0  }
0x18: {  	s0 =	sld [smem:$0x3F9F];
	_ =	swait.ge [sflag:s4], $0x0  }
0x19: {  	s7 =	sld [smem:$0x3FA0]  }
0x1a: {  	s8 =	sadd.s32 $0xFFFFE003, lr  }
0x1b: {  	s9 =	sadd.s32 $0xFFFFFEF7, lr;
	s5 =	simm.s32 $0xFFFFFFFF;
	p2 =	slt.u32 s8, $0xFFFFF086  }
0x1c: {  	p1 =	slt.u32 s9, $0xF7A;
	s5 =	simm.s32 @!p2 $0x0  }
0x1d: {  	s5 =	simm.s32 @p1 $0x1;
	p0 =	seq.s32 s7, s2  }
0x1e: {  	s7 =	smul.u32 @!p0 $0xF7A, s2;
	p2 =	seq.s32 @!p0 s5, $0x0  }
0x1f: {  	s9 =	smul.u32 $0xF7A, s1;
	s8 =	simm.s32 @!p0 $0x1BF5;
	p2 =	por !p2, p0  }
0x20: {  	[sflag:s8] =	ssyncset.s32 @!p0 $0xFFFFF086;
	s6 =	sadd.s32 @!p0 s3, s7;
	s7 =	simm.s32 @!p0 $0x108  }
0x21: {  	s3 =	sadd.s32 s3, s9;
	s6 =	sadd.s32 @!p0 $0x88, s6;
	s7 =	simm.s32 @p2 $0x1082  }
0x22: {  	[simem:s7], [sflag:s8] =	dma.local @!p0 [hbm:s6], $0xF7A  }
0x23: {  	s9 =	sor.u32 $0xD0000000, s2;
	s6 =	simm.s32 $0x108;
	_ =	swait.ge @!p0 [sflag:s8], $0x0  }
0x24: {  	s3 =	sadd.s32 $0x88, s3;
	s6 =	simm.s32 @!p1 $0x1082;
	[sflag:s4] =	ssyncset.s32 $0xFFFFF086  }
0x25: {  	[simem:s6], [sflag:s4] =	dma.local [hbm:s3], $0xF7A  }
0x26: {  	[smem:$0x3FA0] =	sst s1;
	(tag) =	ssettag s2;
	_ =	strace s9  }
0x27: {  	s1 =	sld [smem:$0x3FB0]  }
0x28: {  	s2 =	sld [smem:$0x3FB1]  }
0x29: {  	s4 =	sld [smem:$0x3FB3]  }
0x2a: {  	p0 =	seq.s32 s5, $0x0;
	s5 =	sld [smem:$0x3FB4]  }
0x2b: {  	s6 =	sld [smem:$0x3FB5]  }
0x2c: {  	s7 =	sld [smem:$0x3FB6]  }
0x2d: {  	s3 =	simm.s32 $0x108;
	s8 =	sld [smem:$0x3FB7]  }
0x2e: {  	s3 =	simm.s32 @!p0 $0x1082;
	s9 =	sld [smem:$0x3FB8]  }
0x2f: {  	lr =	sadd.s32 s0, s3;
	s0 =	sld [smem:$0x3FAF]  }
0x30: {  	s3 =	sld [smem:$0x3FB2]  }
0x31: {  	[smem:$0x3FBB] =	sst s10  }
0x32: {  	s10 =	sld [smem:$0x3FB9];
	_ =	sdelay $0x3  }
0x33: {  	p0 =	seq.s32 s10, $0x1;
	s10 =	sld [smem:$0x3FBB];
	_ =	sdelay $0x3  }
0x34: {  	[smem:$0x3FBB] =	sst s10  }
0x35: {  	s10 =	sld [smem:$0x3FBA];
	_ =	sdelay $0x3  }
0x36: {  	p1 =	seq.s32 s10, $0x1;
	s10 =	sld [smem:$0x3FBB];
	_ =	sdelay $0x3  }
0x37: {  	[smem:$0x3FBB] =	sst s10  }
0x38: {  	s10 =	sld [smem:$0x3FBC]  }
0x39: {  	_ = 	snop;
	(pc) =	sbr.ind lr, $3  }
0x3a: {  	_ = 	snop  }
0x3b: {  	_ = 	snop  }
0x3c: {  	p2 =	seq.s32 s10, $0x1;
	s10 =	sld [smem:$0x3FBB]  }
0x3d: {  	_ =	shalt  }
0x3e: {  	_ =	shalt  }
0x3f: {  	_ =	shalt  }
0x40: {  	_ =	shalt  }
0x41: {  	_ =	shalt  }
0x42: {  	_ =	shalt  }
0x43: {  	_ =	shalt  }
0x44: {  	_ =	shalt  }
0x45: {  	_ =	shalt  }
0x46: {  	_ =	shalt  }
0x47: {  	_ =	shalt  }
0x48: {  	_ =	shalt  }
0x49: {  	_ =	shalt  }
0x4a: {  	_ =	shalt  }
0x4b: {  	_ =	shalt  }
0x4c: {  	_ =	shalt  }
0x4d: {  	_ =	shalt  }
0x4e: {  	_ =	shalt  }
0x4f: {  	_ =	shalt  }
0x50: {  	_ =	shalt  }
0x51: {  	_ =	shalt  }
0x52: {  	_ =	shalt  }
0x53: {  	_ =	shalt  }
0x54: {  	_ =	shalt  }
0x55: {  	_ =	shalt  }
0x56: {  	_ =	shalt  }
0x57: {  	_ =	shalt  }
0x58: {  	_ =	shalt  }
0x59: {  	_ =	shalt  }
0x5a: {  	_ =	shalt  }
0x5b: {  	_ =	shalt  }
0x5c: {  	_ =	shalt  }
0x5d: {  	_ =	shalt  }
0x5e: {  	_ =	shalt  }
0x5f: {  	_ =	shalt  }
0x60: {  	_ =	shalt  }
0x61: {  	_ =	shalt  }
0x62: {  	_ =	shalt  }
0x63: {  	_ =	shalt  }
0x64: {  	_ =	shalt  }
0x65: {  	_ =	shalt  }
0x66: {  	_ =	shalt  }
0x67: {  	_ =	shalt  }
0x68: {  	_ =	shalt  }
0x69: {  	_ =	shalt  }
0x6a: {  	_ =	shalt  }
0x6b: {  	_ =	shalt  }
0x6c: {  	_ =	shalt  }
0x6d: {  	_ =	shalt  }
0x6e: {  	_ =	shalt  }
0x6f: {  	_ =	shalt  }
0x70: {  	_ =	shalt  }
0x71: {  	_ =	shalt  }
0x72: {  	_ =	shalt  }
0x73: {  	_ =	shalt  }
0x74: {  	_ =	shalt  }
0x75: {  	_ =	shalt  }
0x76: {  	_ =	shalt  }
0x77: {  	_ =	shalt  }
0x78: {  	_ =	shalt  }
0x79: {  	_ =	shalt  }
0x7a: {  	_ =	shalt  }
0x7b: {  	_ =	shalt  }
0x7c: {  	_ =	shalt  }
0x7d: {  	_ =	shalt  }
0x7e: {  	_ =	shalt  }
0x7f: {  	_ =	shalt  }
0x80: {  	_ =	shalt  }
0x81: {  	_ =	shalt  }
0x82: {  	_ =	shalt  }
0x83: {  	_ =	shalt  }
0x84: {  	_ =	shalt  }
0x85: {  	_ =	shalt  }
0x86: {  	_ =	shalt  }
0x87: {  	_ =	shalt  }
.Lfunc_end0:
.L_simem_size_0:
called_computation.3_lowered:
.L_overlay_start_0:
0x88: {  	s2 =	sld [smem:$0x3FD9]  }
0x89: {  	s3 =	sld [smem:$0x3FFE];
	_ =	sdelay $0x1  }
0x8a: {  	s1 =	srdreg.scid  }
0x8b: {  	s0 =	sand.u32 $0x1, s1  }
0x8c: {  	s16 =	sshll.u32 s0, $0xA;
	s2 =	sadd.s32 s3, s2  }
0x8d: {  	s2 =	sadd.s32 s2, s16  }
0x8e: {  	[smem:$0x3FC7] =	sst s2  }
0x8f: {  	_ = 	snop  }
0x90: {  	(tm) =	ssettm $0x1  }
0x91: {  	s17 =	sld [smem:$0x3FFB];
	_ =	sdelay $0x3  }
0x92: {  	_ =	strace s17  }
0x93: {  	s2 =	sld [smem:$0x3FFC];
	_ =	sdelay $0x3  }
0x94: {  	_ =	strace s2  }
0x95: {  	s2 =	sld [smem:$0x3FFD];
	_ =	sdelay $0x3  }
0x96: {  	_ =	strace s2  }
0x97: {  	_ =	strace $0x8FFFFFFF  }
0x98: {  	s18 =	sld [smem:$0x3FDB];
	_ =	sdelay $0x1  }
0x99: {  	s19 =	simm.s32 $_scs_section_size  }
0x9a: {  	s4 =	simm.s32 $_size__tile_overlayer_lowered;
	s5 =	simm.s32 $_tile_overlayer_lowered  }
0x9b: {  	s22 =	simm.s32 $0x1BFF;
	s21 =	sshll.u32 s5, $0x1;
	s2 =	sadd.s32 s19, s18  }
0x9c: {  	s6 =	simm.s32 $0x0;
	s20 =	sshll.u32 s4, $0x1;
	s4 =	sadd.s32 s21, s2  }
0x9d: {  	[timem:s6], [sflag:s22] =	dma.local [hbm:s4], s20  }
0x9e: {  	_ =	swait.ge [sflag:s22], s20  }
0x9f: {  	s3 =	ssub.s32 $0x0, s20;
	[sflag:s22] =	ssyncset.done $0x0  }
0xa0: {  	[sflag:s22] =	ssyncadd.s32 s3;
	_ =	sdelay $0x1  }
0xa1: {  	s23 =	simm.s32 $0x1B8B  }
0xa2: {  	_ =	swait.ge [sflag:s23], $0x1  }
0xa3: {  	[sflag:s23] =	ssyncset.done $0x0  }
0xa4: {  	s25 =	simm.s32 $0x1B8E;
	s24 =	sld [smem:$0x3FFE];
	[sflag:s23] =	ssyncadd.s32 $0xFFFFFFFF  }
0xa5: {  	s26 =	simm.s32 $execute0_lowered;
	[smem:$0x3FD2] =	sst s25  }
0xa6: {  	s4 =	sshll.u32 s26, $0x1;
	_ =	strace $0x80000046;
	[dreg:$0x1] =	wrdreg $0xFFFFFFFF  }
0xa7: {  	s28 =	simm.s32 $_size_execute0_lowered;
	s2 =	sadd.s32 s2, s4;
	[dreg:$0x0] =	wrdreg $0x0  }
0xa8: {  	s4 =	sshll.u32 s28, $0x1;
	[dreg:$0x2] =	wrdreg s2  }
0xa9: {  	[dreg:$0x3] =	wrdreg s4  }
0xaa: {  	[dreg:$0x4] =	wrdreg $0xC0  }
0xab: {  	_ =	task [dreg:s6], $0x5FFFF  }
0xac: {  	[dreg:$0x1] =	wrdreg $0xFFFFFFFF  }
0xad: {  	[dreg:$0x0] =	wrdreg $0x60  }
0xae: {  	[dreg:$0x2] =	wrdreg s24  }
0xaf: {  	[dreg:$0x3] =	wrdreg $0xA  }
0xb0: {  	_ =	task.clear_ibuf [dreg:s6], $0x4FFFF;
	_ =	strace $0x90000046  }
0xb1: {  	s29 =	simm.s32 $0xA;
	_ =	strace $0x80000048  }
0xb2: {  	_ =	swait.ge [sflag:s29], $0x1  }
0xb3: {  	[sflag:s29] =	ssyncadd.s32 $0xFFFFFFFF  }
0xb4: {  	_ =	strace $0x90000048  }
0xb5: {  	_ =	sfence  }
0xb6: {  	s30 =	sld [smem:$0x0];
	_ =	sdelay $0x2  }
0xb7: {  	s31 =	sshll.u32 s1, $0xD;
	s1 =	sshrl.u32 s1, $0x2  }
0xb8: {  	s3 =	sand.u32 $0x4000, s31;
	s1 =	sadd.s32 s1, s30  }
0xb9: {  	s0 =	sor.u32 s3, s0;
	s1 =	sshll.u32 s1, $0x11  }
0xba: {  	s0 =	sor.u32 s1, s0  }
0xbb: {  	s0 =	sadd.s32 $0x8F2B, s0  }
0xbc: {  	[sflag:s0] =	ssyncadd.remote.s32 $0x1  }
0xbd: {  	_ =	sfence.sel $0xFFFF  }
0xbe: {  	[dreg:$0x0] =	wrdreg $0xFFFFFFFF;
	(pc) =	sbr.abs _section_cstart, $3  }
0xbf: {  	[dreg:$0x1] =	wrdreg $0xFFFFFFFF  }
0xc0: {  	_ =	task.clear_ibuf [dreg:s6], $0x2FFFF;
	_ =	strace $0x9FFFFFFF  }
0xc1: {  	(tm) =	ssettm $0x7FFFFFFF  }
tec
execute0_lowered:
.L_overlay_start_1:
0x0: {  	(tag) =	ssettag $0x1  }
0x1: {  	s0 =	srdreg.scid;
	s5 =	rddreg [dreg:$0x0]  }
0x2: {  	s1 =	stileid.u32;
	s6 =	simm.s32 $0x1;
	s9 =	simm.s32 $0x1  }
0x3: {  	s10 =	simm.s32 $0x3;
	s13 =	simm.s32 $0x0;
	s2 =	sshll.u32 s0, $0x7  }
0x4: {  	s12 =	simm.s32 $0x0;
	s3 =	sshll.u32 s1, $0x8;
	s2 =	sand.u32 $0x80, s2  }
0x5: {  	s0 =	rddreg [dreg:$0x1];
	_ =	strace $0x80000047;
	s2 =	sor.u32 s3, s2  }
0x6: {  	s4 =	sadd.s32 $0x1DC00, s5;
	[sflag:s6] =	ssyncpa.u1 $0x0;
	s8 =	ssub.s32 $0x2000, s2  }
.Ltmp0:
0x7: {  	s3 =	sadd.s32 $0x5C00, s5;
	s7 =	sand.u32 $0xF80, s8;
	(pc) =	sbr.rel .LBB2_1-.Ltmp0, $4  }
0x8: {  	s5 =	sadd.s32 $0x1E400, s5;
	s11 =	smov.u32 s2;
	p0 =	sne.s32 s7, $0x0  }
0x9: {  	s8 =	sshrl.u32 s8, $0xC;
	s7 =	simm.s32 $0x2;
	s9 =	simm.s32 @!p0 $0x0  }
0xa: {  	[sflag:s7] =	ssyncpa.u1 $0x0;
	p0 =	por $0x0, $0x0;
	s8 =	sadd.s32 s9, s8  }
0xb: {  	vm0 =	vmmov $0xffff;
	[sflag:s10] =	ssyncpa.u1 $0x0;
	s10 =	simm.s32 $0x0;
	s9 =	sadd.s32 $0x1, s8  }
.LBB2_4:
0xc: {  	vm1 =	veq.s32 v4, $0x80000000;
	v56 =	vand.u32 $0x7, v4;
	v6 =	vand.u32 $0xFFFF, v6  }
0xd: {  	v2 =	vor.u32 v2, v5;
	v59 =	vshrl.u32 v1, $0x3;
	v60 =	vand.u32 $0x7, v1  }
0xe: {  	v4 =	vsel vm1, $0xFFFFFFFF, v56;
	v6 =	vsel vm1, $0xFFFFFFFF, v6;
	v2 =	vor.u32 v3, v2  }
0xf: {  	vm1 =	veq.s32 v1, $0x80000000;
	v5 =	vand.u32 $0xFFFF, v59;
	v7 =	vshrl.u32 v4, $0x3  }
0x10: {  	v57 =	vshll.u32 v6, $0x3;
	v4 =	vshll.u32 v4, $0x7;
	v1 =	vsel vm1, $0xFFFFFFFF, v60  }
0x11: {  	v5 =	vsel vm1, $0xFFFFFFFF, v5;
	v6 =	vand.u32 $0x7F, v6;
	v7 =	vmul.u32 $0x60000, v7  }
0x12: {  	v58 =	vand.u32 $0xFFFFFC00, v57;
	v4 =	vand.u32 $0x380, v4;
	v61 =	vshrl.u32 v1, $0x3  }
0x13: {  	v62 =	vshll.u32 v5, $0x3;
	v3 =	vadd.s32 v7, v58;
	v7 =	vmul.u32 $0x60000, v61  }
0x14: {  	v1 =	vshll.u32 v1, $0x7;
	v3 =	vor.u32 v4, v3;
	v4 =	vand.u32 $0xFFFFFC00, v62  }
0x15: {  	v1 =	vand.u32 $0x380, v1;
	v3 =	vor.u32 v6, v3;
	v4 =	vadd.s32 v7, v4  }
0x16: {  	[tilespmem:s16], [sflag:$0x1] =	stream.indirect_vreg.gather [hbm4b:s3+s10], $0x1, v0, vm0, $0x4038;
	v63 =	vand.u32 $0x7F, v5;
	v1 =	vor.u32 v1, v4;
	[tilespmem:$0x200] =	vst v63  }
0x17: {  	s15 =	sadd.s32 $0x10, s15;
	(ifvalue) =	ssetifvalue $0x7FFFFFFF;
	v0 =	vor.u32 v63, v1  }
0x18: {  	[tilespmem:s15], [sflag:$0x1] =	stream.indirect_vreg.gather [hbm4b:s3+s10], $0x1, v2, vm0, $0x4038;
	[tilespmem:$0x200] =	vst v63  }
0x19: {  	s15 =	sadd.s32 $0x10, s15;
	(ifvalue) =	ssetifvalue $0x7FFFFFFF  }
0x1a: {  	[tilespmem:s15], [sflag:$0x1] =	stream.indirect_vreg.gather [hbm4b:s3+s10], $0x1, v3, vm0, $0x4038;
	[tilespmem:$0x200] =	vst v63  }
0x1b: {  	s15 =	sadd.s32 $0x10, s15;
	(ifvalue) =	ssetifvalue $0x7FFFFFFF  }
0x1c: {  	[tilespmem:s15], [sflag:$0x1] =	stream.indirect_vreg.gather [hbm4b:s3+s10], $0x1, v0, vm0, $0x4038;
	[tilespmem:$0x200] =	vst v63  }
0x1d: {  	_ =	swait.ge [sflag:s6], $0x80  }
0x1e: {  	s30 =	sshrl.u32 s13, $0x3;
	[sflag:s6] =	ssyncset.done $0x0  }
0x1f: {  	s31 =	sand.u32 $0x7, s13;
	s15 =	sadd.s32 s5, s30;
	[sflag:s6] =	ssyncadd.s32 $0xFFFFFF80  }
0x20: {  	[hbm4b:s15+s31] =	stream.linear.scatter [tilespmem:s14], [sflag:$0x3], $0x80, $0x38;
	[tilespmem:$0x200] =	vst v63  }
.LBB2_5:
0x21: {  	s15 =	sadd.s32 $0x1000, s11  }
0x22: {  	p2 =	sgt.s32 s15, $0x1FFF  }
0x23: {  	s15 =	smov.u32 @p2 s2;
	p2 =	sne.s32 s12, s9  }
.Ltmp1:
0x24: {  	p1 =	slt.u32 s12, $0x2;
	(pc) =	sbr.rel @!p2 .LBB2_6-.Ltmp1, $4  }
0x25: {  	s14 =	simm.s32 @!p1 $0x3  }
0x26: {  	s16 =	sadd.s32 $0x1, s12;
	_ =	swait.ge @!p1 [sflag:s14], $0x80  }
0x27: {  	s13 =	smov.u32 s11;
	p0 =	por !p0, !p0;
	[sflag:s14] =	ssyncset.done @!p1 $0x0  }
0x28: {  	s12 =	smov.u32 s16;
	s11 =	smov.u32 s15;
	[sflag:s14] =	ssyncadd.s32 @!p1 $0xFFFFFF80  }
.LBB2_1:
0x29: {  	p1 =	sge.u32 s12, s8  }
0x2a: {  	s14 =	sxor.u32 @!p1 $0xFFFFFFFF, s12  }
0x2b: {  	s31 =	sadd.s32 $0xFFFFFFFF, s12;
	s15 =	sshrl.u32 @!p1 s11, $0x3;
	s14 =	sshll.u32 @!p1 s14, $0x7  }
0x2c: {  	s16 =	sand.u32 @!p1 $0x7, s11;
	s15 =	sadd.s32 @!p1 s4, s15;
	s14 =	sand.u32 @!p1 $0x80, s14  }
0x2d: {  	[tilespmem:s14], [sflag:$0x2] =	stream.linear.gather @!p1 [hbm4b:s15+s16], $0x80, $0x38;
	[tilespmem:$0x200] =	vst v63  }
0x2e: {  	p1 =	sge.u32 s31, s8  }
.Ltmp2:
0x2f: {  	_ = 	snop;
	(pc) =	sbr.rel @p1 .LBB2_5-.Ltmp2, $1  }
0x30: {  	_ =	sdelay $0x3  }
0x31: {  	s14 =	simm.s32 $0x1  }
0x32: {  	_ =	swait.ge [sflag:s7], $0x80;
	s14 =	simm.s32 @!p0 $0x0  }
0x33: {  	[sflag:s7] =	ssyncset.done $0x0;
	s14 =	sshll.u32 s14, $0x7  }
0x34: {  	[sflag:s7] =	ssyncadd.s32 $0xFFFFFF80;
	(ifvalue) =	ssetifvalue $0x7FFFFFFF;
	v0 =	vld.msk [tilespmem:s14+$0x0 ss:$0x1], $0xffff  }
0x35: {  	s15 =	sadd.s32 $0x10, s14  }
0x36: {  	v1 =	vld.msk [tilespmem:s15+$0x0 ss:$0x1], $0xffff;
	_ =	sdelay $0x2  }
0x37: {  	v2 =	vshrl.u32 v0, $0x3  }
0x38: {  	vm1 =	veq.s32 v0, $0x80000000;
	v0 =	vand.u32 $0x7, v0;
	v2 =	vand.u32 $0xFFFF, v2  }
0x39: {  	v0 =	vsel vm1, $0xFFFFFFFF, v0;
	v6 =	vshrl.u32 v1, $0x3;
	v2 =	vsel vm1, $0xFFFFFFFF, v2  }
0x3a: {  	v3 =	vshrl.u32 v0, $0x3;
	v0 =	vshll.u32 v0, $0x7;
	vm1 =	veq.s32 v1, $0x80000000  }
0x3b: {  	s15 =	sadd.s32 $0x10, s15;
	v1 =	vand.u32 $0x7, v1;
	v4 =	vshll.u32 v2, $0x3;
	v3 =	vmul.u32 $0x60000, v3  }
0x3c: {  	v0 =	vand.u32 $0x380, v0;
	v7 =	vand.u32 $0x7F, v2;
	v5 =	vand.u32 $0xFFFFFC00, v4;
	v4 =	vld.msk [tilespmem:s15+$0x0 ss:$0x1], $0xffff  }
0x3d: {  	v1 =	vsel vm1, $0xFFFFFFFF, v1;
	v2 =	vadd.s32 v3, v5;
	v3 =	vand.u32 $0xFFFF, v6  }
0x3e: {  	v3 =	vsel vm1, $0xFFFFFFFF, v3;
	v0 =	vor.u32 v0, v2;
	v2 =	vshrl.u32 v1, $0x3  }
0x3f: {  	s16 =	sshll.u32 s12, $0x7;
	s18 =	simm.s32 $0x30;
	v1 =	vshll.u32 v1, $0x7;
	v5 =	vshll.u32 v3, $0x3;
	v8 =	vmul.u32 $0x60000, v2  }
0x40: {  	s31 =	sand.u32 $0x80, s16;
	s17 =	sadd.s32 $0x10, s15;
	s15 =	sor.u32 $0x100, s14;
	v2 =	vand.u32 $0x380, v1;
	v0 =	vor.u32 v7, v0;
	v5 =	vand.u32 $0xFFFFFC00, v5  }
0x41: {  	s14 =	sor.u32 $0x100, s31;
	s16 =	smov.u32 s15;
	v1 =	vld.msk [tilespmem:s17+$0x0 ss:$0x1], $0xffff;
	v3 =	vand.u32 $0x7F, v3;
	(ifvalue) =	ssetifvalue $0x7FFFFFFF;
	v6 =	vshrl.u32 v4, $0x3;
	v5 =	vadd.s32 v8, v5  }
.LBB2_3:
0x42: {  	s18 =	sadd.s32 $0x10, s18  }
0x43: {  	vm1 =	veq.s32 v4, $0x80000000;
	v4 =	vand.u32 $0x7, v4;
	v6 =	vand.u32 $0xFFFF, v6;
	s15 =	sadd.s32 $0x10, s15;
	p1 =	slt.u32 s18, $0x70  }
.Ltmp3:
0x44: {  	v5 =	vor.u32 v2, v5;
	v4 =	vsel vm1, $0xFFFFFFFF, v4;
	v7 =	vsel vm1, $0xFFFFFFFF, v6;
	(pc) =	sbr.rel @p1 .LBB2_3-.Ltmp3, $4  }
0x45: {  	v2 =	vshrl.u32 v4, $0x3;
	v6 =	vshll.u32 v7, $0x3;
	v4 =	vshll.u32 v4, $0x7;
	[tilespmem:s16], [sflag:$0x1] =	stream.indirect_vreg.gather [hbm4b:s3+s10], $0x1, v0, vm0, $0x4038;
	[tilespmem:$0x200] =	vst v63  }
0x46: {  	v0 =	vor.u32 v3, v5;
	s16 =	smov.u32 s15;
	v8 =	vmul.u32 $0x60000, v2;
	v2 =	vand.u32 $0x380, v4  }
0x47: {  	s17 =	sadd.s32 $0x10, s17;
	v9 =	vand.u32 $0xFFFFFC00, v6  }
0x48: {  	v3 =	vand.u32 $0x7F, v7;
	v6 =	vshrl.u32 v1, $0x3;
	v5 =	vadd.s32 v8, v9;
	(ifvalue) =	ssetifvalue $0x7FFFFFFF;
	v4 =	vmovc v1;
	v1 =	vld.msk [tilespmem:s17+$0x0 ss:$0x1], $0xffff  }
.Ltmp4:
0x49: {  	_ = 	snop;
	(pc) =	sbr.rel .LBB2_4-.Ltmp4, $1  }
0x4a: {  	_ =	sdelay $0x3  }
.LBB2_6:
0x4b: {  	_ =	sfence.sel $0x180000  }
0x4c: {  	s2 =	simm.s32 $0x2;
	[bflag:$0x0] =	sbarrier.arrive $0xFFFF  }
0x4d: {  	s30 =	simm.s32 $0x3;
	[sflag:s2] =	ssyncpa.u1 $0x1  }
0x4e: {  	s31 =	simm.s32 $0x1;
	[sflag:s30] =	ssyncpa.u1 $0x1  }
0x4f: {  	[sflag:s31] =	ssyncpa.u1 $0x1  }
0x50: {  	p0 =	sne.s32 s1, $0x0;
	_ =	strace $0x90000047  }
0x51: {  	s0 =	sadd.s32 @!p0 $0x100000, s0;
	[bflag:$0x2] =	sbarrier.arrive $0xFFFF  }
0x52: {  	[sflag:s0] =	ssyncadd.tile.s32 @!p0 $0x1;
	_ =	shalt  }
.Lfunc_end2:
_tile_overlayer_lowered:
.L_overlay_start_2:
0x53: {  	(tag) =	ssettag $0x2  }
0x54: {  	s0 =	rddreg [dreg:$0x0];
	s2 =	stileid.u32  }
0x55: {  	s1 =	rddreg [dreg:$0x1];
	p0 =	sne.s32 s2, $0x0  }
0x56: {  	s3 =	rddreg [dreg:$0x2];
	[bflag:$0x3] =	sbarrier.arrive $0xFFFF;
	s2 =	simm.s32 @!p0 $0x1C01  }
0x57: {  	[timem:s3], [sflag:s2] =	dma.local @!p0 [hbm:s0], s1  }
0x58: {  	s0 =	simm.s32 @!p0 $0x1  }
0x59: {  	_ =	swait.ge @!p0 [sflag:s0], s1  }
0x5a: {  	s1 =	ssub.s32 @!p0 $0x0, s1;
	[sflag:s0] =	ssyncset.done @!p0 $0x0  }
0x5b: {  	[sflag:s0] =	ssyncadd.s32 @!p0 s1  }
0x5c: {  	[bflag:$0x3] =	sbarrier.arrive $0xFFFF  }
0x5d: {  	_ =	shalt  }

// kernel: gather_offload_async_start.4
scs
__scs_entry_jumppad:
0x0: {  	(pc) =	sbr.rel $0x88, $3  }
0x1: {  	(tag) =	ssettag $0x0;
	lr =	simm.s32 $0x1  }
0x2: {  	[smem:$0x3FA0] =	sst lr;
	_ =	strace $0xD0000000  }
0x3: {  	_ = 	snop  }
0x4: {  	_ = 	snop  }
0x5: {  	_ = 	snop  }
0x6: {  	_ = 	snop  }
0x7: {  	_ = 	snop  }
__scs_overlays_trampoline_lowered:
0x8: {  	[smem:$0x3FAF] =	sst s0  }
0x9: {  	[smem:$0x3FB0] =	sst s1  }
0xa: {  	[smem:$0x3FB1] =	sst s2  }
0xb: {  	[smem:$0x3FB2] =	sst s3  }
0xc: {  	[smem:$0x3FB3] =	sst s4  }
0xd: {  	[smem:$0x3FB4] =	sst s5  }
0xe: {  	[smem:$0x3FB5] =	sst s6  }
0xf: {  	[smem:$0x3FB6] =	sst s7  }
0x10: {  	[smem:$0x3FB7] =	sst s8  }
0x11: {  	[smem:$0x3FB8] =	sst s9;
	s0 =	simm.s32 @!p0 $0x0  }
0x12: {  	s1 =	sld [smem:$0x3F9E];
	s0 =	simm.s32 @p0 $0x1  }
0x13: {  	[smem:$0x3FB9] =	sst s0;
	s0 =	simm.s32 @!p1 $0x0  }
0x14: {  	s2 =	sld [smem:$0x3F9D];
	s0 =	simm.s32 @p1 $0x1  }
0x15: {  	[smem:$0x3FBA] =	sst s0;
	s0 =	simm.s32 @!p2 $0x0  }
0x16: {  	s3 =	sld [smem:$0x3FDB];
	s0 =	simm.s32 @p2 $0x1  }
0x17: {  	s4 =	simm.s32 $0x1BF5;
	[smem:$0x3FBC] =	sst s0  }
0x18: {  	s0 =	sld [smem:$0x3F9F];
	_ =	swait.ge [sflag:s4], $0x0  }
0x19: {  	s7 =	sld [smem:$0x3FA0]  }
0x1a: {  	s8 =	sadd.s32 $0xFFFFE003, lr  }
0x1b: {  	s9 =	sadd.s32 $0xFFFFFEF7, lr;
	s5 =	simm.s32 $0xFFFFFFFF;
	p2 =	slt.u32 s8, $0xFFFFF086  }
0x1c: {  	p1 =	slt.u32 s9, $0xF7A;
	s5 =	simm.s32 @!p2 $0x0  }
0x1d: {  	s5 =	simm.s32 @p1 $0x1;
	p0 =	seq.s32 s7, s2  }
0x1e: {  	s7 =	smul.u32 @!p0 $0xF7A, s2;
	p2 =	seq.s32 @!p0 s5, $0x0  }
0x1f: {  	s9 =	smul.u32 $0xF7A, s1;
	s8 =	simm.s32 @!p0 $0x1BF5;
	p2 =	por !p2, p0  }
0x20: {  	[sflag:s8] =	ssyncset.s32 @!p0 $0xFFFFF086;
	s6 =	sadd.s32 @!p0 s3, s7;
	s7 =	simm.s32 @!p0 $0x108  }
0x21: {  	s3 =	sadd.s32 s3, s9;
	s6 =	sadd.s32 @!p0 $0x88, s6;
	s7 =	simm.s32 @p2 $0x1082  }
0x22: {  	[simem:s7], [sflag:s8] =	dma.local @!p0 [hbm:s6], $0xF7A  }
0x23: {  	s9 =	sor.u32 $0xD0000000, s2;
	s6 =	simm.s32 $0x108;
	_ =	swait.ge @!p0 [sflag:s8], $0x0  }
0x24: {  	s3 =	sadd.s32 $0x88, s3;
	s6 =	simm.s32 @!p1 $0x1082;
	[sflag:s4] =	ssyncset.s32 $0xFFFFF086  }
0x25: {  	[simem:s6], [sflag:s4] =	dma.local [hbm:s3], $0xF7A  }
0x26: {  	[smem:$0x3FA0] =	sst s1;
	(tag) =	ssettag s2;
	_ =	strace s9  }
0x27: {  	s1 =	sld [smem:$0x3FB0]  }
0x28: {  	s2 =	sld [smem:$0x3FB1]  }
0x29: {  	s4 =	sld [smem:$0x3FB3]  }
0x2a: {  	p0 =	seq.s32 s5, $0x0;
	s5 =	sld [smem:$0x3FB4]  }
0x2b: {  	s6 =	sld [smem:$0x3FB5]  }
0x2c: {  	s7 =	sld [smem:$0x3FB6]  }
0x2d: {  	s3 =	simm.s32 $0x108;
	s8 =	sld [smem:$0x3FB7]  }
0x2e: {  	s3 =	simm.s32 @!p0 $0x1082;
	s9 =	sld [smem:$0x3FB8]  }
0x2f: {  	lr =	sadd.s32 s0, s3;
	s0 =	sld [smem:$0x3FAF]  }
0x30: {  	s3 =	sld [smem:$0x3FB2]  }
0x31: {  	[smem:$0x3FBB] =	sst s10  }
0x32: {  	s10 =	sld [smem:$0x3FB9];
	_ =	sdelay $0x3  }
0x33: {  	p0 =	seq.s32 s10, $0x1;
	s10 =	sld [smem:$0x3FBB];
	_ =	sdelay $0x3  }
0x34: {  	[smem:$0x3FBB] =	sst s10  }
0x35: {  	s10 =	sld [smem:$0x3FBA];
	_ =	sdelay $0x3  }
0x36: {  	p1 =	seq.s32 s10, $0x1;
	s10 =	sld [smem:$0x3FBB];
	_ =	sdelay $0x3  }
0x37: {  	[smem:$0x3FBB] =	sst s10  }
0x38: {  	s10 =	sld [smem:$0x3FBC]  }
0x39: {  	_ = 	snop;
	(pc) =	sbr.ind lr, $3  }
0x3a: {  	_ = 	snop  }
0x3b: {  	_ = 	snop  }
0x3c: {  	p2 =	seq.s32 s10, $0x1;
	s10 =	sld [smem:$0x3FBB]  }
0x3d: {  	_ =	shalt  }
0x3e: {  	_ =	shalt  }
0x3f: {  	_ =	shalt  }
0x40: {  	_ =	shalt  }
0x41: {  	_ =	shalt  }
0x42: {  	_ =	shalt  }
0x43: {  	_ =	shalt  }
0x44: {  	_ =	shalt  }
0x45: {  	_ =	shalt  }
0x46: {  	_ =	shalt  }
0x47: {  	_ =	shalt  }
0x48: {  	_ =	shalt  }
0x49: {  	_ =	shalt  }
0x4a: {  	_ =	shalt  }
0x4b: {  	_ =	shalt  }
0x4c: {  	_ =	shalt  }
0x4d: {  	_ =	shalt  }
0x4e: {  	_ =	shalt  }
0x4f: {  	_ =	shalt  }
0x50: {  	_ =	shalt  }
0x51: {  	_ =	shalt  }
0x52: {  	_ =	shalt  }
0x53: {  	_ =	shalt  }
0x54: {  	_ =	shalt  }
0x55: {  	_ =	shalt  }
0x56: {  	_ =	shalt  }
0x57: {  	_ =	shalt  }
0x58: {  	_ =	shalt  }
0x59: {  	_ =	shalt  }
0x5a: {  	_ =	shalt  }
0x5b: {  	_ =	shalt  }
0x5c: {  	_ =	shalt  }
0x5d: {  	_ =	shalt  }
0x5e: {  	_ =	shalt  }
0x5f: {  	_ =	shalt  }
0x60: {  	_ =	shalt  }
0x61: {  	_ =	shalt  }
0x62: {  	_ =	shalt  }
0x63: {  	_ =	shalt  }
0x64: {  	_ =	shalt  }
0x65: {  	_ =	shalt  }
0x66: {  	_ =	shalt  }
0x67: {  	_ =	shalt  }
0x68: {  	_ =	shalt  }
0x69: {  	_ =	shalt  }
0x6a: {  	_ =	shalt  }
0x6b: {  	_ =	shalt  }
0x6c: {  	_ =	shalt  }
0x6d: {  	_ =	shalt  }
0x6e: {  	_ =	shalt  }
0x6f: {  	_ =	shalt  }
0x70: {  	_ =	shalt  }
0x71: {  	_ =	shalt  }
0x72: {  	_ =	shalt  }
0x73: {  	_ =	shalt  }
0x74: {  	_ =	shalt  }
0x75: {  	_ =	shalt  }
0x76: {  	_ =	shalt  }
0x77: {  	_ =	shalt  }
0x78: {  	_ =	shalt  }
0x79: {  	_ =	shalt  }
0x7a: {  	_ =	shalt  }
0x7b: {  	_ =	shalt  }
0x7c: {  	_ =	shalt  }
0x7d: {  	_ =	shalt  }
0x7e: {  	_ =	shalt  }
0x7f: {  	_ =	shalt  }
0x80: {  	_ =	shalt  }
0x81: {  	_ =	shalt  }
0x82: {  	_ =	shalt  }
0x83: {  	_ =	shalt  }
0x84: {  	_ =	shalt  }
0x85: {  	_ =	shalt  }
0x86: {  	_ =	shalt  }
0x87: {  	_ =	shalt  }
.Lfunc_end0:
.L_simem_size_0:
called_computation.4_lowered:
.L_overlay_start_0:
0x88: {  	s2 =	sld [smem:$0x3FD9]  }
0x89: {  	s3 =	sld [smem:$0x3FFE];
	_ =	sdelay $0x1  }
0x8a: {  	s1 =	srdreg.scid  }
0x8b: {  	s0 =	sand.u32 $0x1, s1  }
0x8c: {  	s17 =	sshll.u32 s0, $0xA;
	s2 =	sadd.s32 s3, s2  }
0x8d: {  	s2 =	sadd.s32 s2, s17  }
0x8e: {  	[smem:$0x3FC7] =	sst s2  }
0x8f: {  	_ = 	snop  }
0x90: {  	(tm) =	ssettm $0x1  }
0x91: {  	s18 =	sld [smem:$0x3FFB];
	_ =	sdelay $0x3  }
0x92: {  	_ =	strace s18  }
0x93: {  	s2 =	sld [smem:$0x3FFC];
	_ =	sdelay $0x3  }
0x94: {  	_ =	strace s2  }
0x95: {  	s2 =	sld [smem:$0x3FFD];
	_ =	sdelay $0x3  }
0x96: {  	_ =	strace s2  }
0x97: {  	_ =	strace $0x8FFFFFFF  }
0x98: {  	s19 =	sld [smem:$0x3FDB];
	_ =	sdelay $0x1  }
0x99: {  	s20 =	simm.s32 $_scs_section_size  }
0x9a: {  	s4 =	simm.s32 $_size__tile_overlayer_lowered;
	s5 =	simm.s32 $_tile_overlayer_lowered  }
0x9b: {  	s6 =	simm.s32 $0x1BFF;
	s21 =	sshll.u32 s5, $0x1;
	s3 =	sadd.s32 s20, s19  }
0x9c: {  	s22 =	simm.s32 $0x0;
	s4 =	sshll.u32 s4, $0x1;
	s5 =	sadd.s32 s21, s3  }
0x9d: {  	[timem:s22], [sflag:s6] =	dma.local [hbm:s5], s4  }
0x9e: {  	_ =	swait.ge [sflag:s6], s4  }
0x9f: {  	s4 =	ssub.s32 $0x0, s4;
	[sflag:s6] =	ssyncset.done $0x0  }
0xa0: {  	[sflag:s6] =	ssyncadd.s32 s4;
	_ =	sdelay $0x1  }
0xa1: {  	s23 =	simm.s32 $0x1B8B  }
0xa2: {  	_ =	swait.ge [sflag:s23], $0x1  }
0xa3: {  	[sflag:s23] =	ssyncset.done $0x0  }
0xa4: {  	[sflag:s23] =	ssyncadd.s32 $0xFFFFFFFF  }
0xa5: {  	s4 =	sld [smem:$0x0]  }
0xa6: {  	s5 =	sand.u32 $0xFFFFFFFE, s1  }
0xa7: {  	p0 =	sne.s32 s1, s5  }
0xa8: {  	s5 =	sshll.u32 @p0 s5, $0xE  }
0xa9: {  	s5 =	sadd.s32 @p0 $0x11B8D, s5;
	s6 =	sshll.u32 @p0 s4, $0x11  }
0xaa: {  	s5 =	sor.u32 @p0 s6, s5  }
0xab: {  	[sflag:s5] =	ssyncadd.remote.s32 @p0 $0x1;
	_ =	sdelay $0x1  }
0xac: {  	s5 =	simm.s32 @p0 $0x1B8D  }
0xad: {  	_ =	swait.eq @p0 [sflag:s5], $0x1  }
0xae: {  	[sflag:s5] =	ssyncadd.s32 @p0 $0xFFFFFFFF  }
0xaf: {  	s6 =	sshll.u32 @!p0 s1, $0xE  }
0xb0: {  	s6 =	sor.u32 @!p0 $0x4000, s6;
	s5 =	simm.s32 @!p0 $0x1B8D  }
0xb1: {  	s4 =	sshll.u32 @!p0 s4, $0x11;
	s6 =	sadd.s32 @!p0 $0x11B8D, s6;
	_ =	swait.eq @!p0 [sflag:s5], $0x1  }
0xb2: {  	s4 =	sor.u32 @!p0 s4, s6;
	[sflag:s5] =	ssyncadd.s32 @!p0 $0xFFFFFFFF  }
0xb3: {  	s25 =	simm.s32 $0x1B8E;
	s24 =	sld [smem:$0x3FFE];
	[sflag:s4] =	ssyncadd.remote.s32 @!p0 $0x1  }
0xb4: {  	s26 =	simm.s32 $execute0_lowered;
	[smem:$0x3FD2] =	sst s25  }
0xb5: {  	s5 =	sshll.u32 s26, $0x1;
	_ =	strace $0x80000049;
	[dreg:$0x1] =	wrdreg $0xFFFFFFFF  }
0xb6: {  	s28 =	simm.s32 $_size_execute0_lowered;
	s3 =	sadd.s32 s3, s5;
	[dreg:$0x0] =	wrdreg $0x0  }
0xb7: {  	s5 =	sshll.u32 s28, $0x1;
	[dreg:$0x2] =	wrdreg s3  }
0xb8: {  	[dreg:$0x3] =	wrdreg s5  }
0xb9: {  	[dreg:$0x4] =	wrdreg $0xC0  }
0xba: {  	_ =	task [dreg:s22], $0x5FFFF  }
0xbb: {  	[dreg:$0x1] =	wrdreg $0xFFFFFFFF  }
0xbc: {  	[dreg:$0x0] =	wrdreg $0x60  }
0xbd: {  	[dreg:$0x2] =	wrdreg s24  }
0xbe: {  	[dreg:$0x3] =	wrdreg $0xB  }
0xbf: {  	_ =	task.clear_ibuf [dreg:s22], $0x4FFFF;
	_ =	strace $0x90000049  }
0xc0: {  	s29 =	simm.s32 $0xB;
	_ =	strace $0x8000004B  }
0xc1: {  	_ =	swait.ge [sflag:s29], $0x1  }
0xc2: {  	[sflag:s29] =	ssyncadd.s32 $0xFFFFFFFF  }
0xc3: {  	_ =	strace $0x9000004B  }
0xc4: {  	_ =	sfence  }
0xc5: {  	s30 =	sld [smem:$0x0];
	_ =	sdelay $0x2  }
0xc6: {  	s31 =	sshll.u32 s1, $0xD;
	s1 =	sshrl.u32 s1, $0x2  }
0xc7: {  	s4 =	sand.u32 $0x4000, s31;
	s1 =	sadd.s32 s1, s30  }
0xc8: {  	s0 =	sor.u32 s4, s0;
	s1 =	sshll.u32 s1, $0x11  }
0xc9: {  	s0 =	sor.u32 s1, s0  }
0xca: {  	s0 =	sadd.s32 $0x8F2B, s0  }
0xcb: {  	[sflag:s0] =	ssyncadd.remote.s32 $0x1  }
0xcc: {  	_ =	sfence.sel $0xFFFF  }
0xcd: {  	[dreg:$0x0] =	wrdreg $0xFFFFFFFF;
	(pc) =	sbr.abs _section_cstart, $3  }
0xce: {  	[dreg:$0x1] =	wrdreg $0xFFFFFFFF  }
0xcf: {  	_ =	task.clear_ibuf [dreg:s22], $0x2FFFF;
	_ =	strace $0x9FFFFFFF  }
0xd0: {  	(tm) =	ssettm $0x7FFFFFFF  }
0xd1: {  	_ =	shalt  }
tec
execute0_lowered:
.L_overlay_start_1:
0x0: {  	(tag) =	ssettag $0x1  }
0x1: {  	s0 =	srdreg.scid;
	s5 =	rddreg [dreg:$0x0]  }
0x2: {  	s1 =	stileid.u32;
	s6 =	simm.s32 $0x1;
	s9 =	simm.s32 $0x1  }
0x3: {  	s10 =	simm.s32 $0x3;
	s13 =	simm.s32 $0x0;
	s2 =	sshll.u32 s0, $0x7  }
0x4: {  	s12 =	simm.s32 $0x0;
	s3 =	sshll.u32 s1, $0x8;
	s2 =	sand.u32 $0x80, s2  }
0x5: {  	s0 =	rddreg [dreg:$0x1];
	_ =	strace $0x8000004A;
	s2 =	sor.u32 s3, s2  }
0x6: {  	s4 =	sadd.s32 $0x1E000, s5;
	[sflag:s6] =	ssyncpa.u1 $0x0;
	s8 =	ssub.s32 $0x2000, s2  }
.Ltmp0:
0x7: {  	s3 =	sadd.s32 $0x11C00, s5;
	s7 =	sand.u32 $0xF80, s8;
	(pc) =	sbr.rel .LBB2_1-.Ltmp0, $4  }
0x8: {  	s5 =	sadd.s32 $0x1E800, s5;
	s11 =	smov.u32 s2;
	p0 =	sne.s32 s7, $0x0  }
0x9: {  	s8 =	sshrl.u32 s8, $0xC;
	s7 =	simm.s32 $0x2;
	s9 =	simm.s32 @!p0 $0x0  }
0xa: {  	[sflag:s7] =	ssyncpa.u1 $0x0;
	p0 =	por $0x0, $0x0;
	s8 =	sadd.s32 s9, s8  }
0xb: {  	vm0 =	vmmov $0xffff;
	[sflag:s10] =	ssyncpa.u1 $0x0;
	s10 =	simm.s32 $0x0;
	s9 =	sadd.s32 $0x1, s8  }
.LBB2_4:
0xc: {  	vm1 =	veq.s32 v4, $0x80000000;
	v56 =	vand.u32 $0x7, v4;
	v6 =	vand.u32 $0xFFFF, v6  }
0xd: {  	v2 =	vor.u32 v2, v5;
	v59 =	vshrl.u32 v1, $0x3;
	v60 =	vand.u32 $0x7, v1  }
0xe: {  	v4 =	vsel vm1, $0xFFFFFFFF, v56;
	v6 =	vsel vm1, $0xFFFFFFFF, v6;
	v2 =	vor.u32 v3, v2  }
0xf: {  	vm1 =	veq.s32 v1, $0x80000000;
	v5 =	vand.u32 $0xFFFF, v59;
	v7 =	vshrl.u32 v4, $0x3  }
0x10: {  	v57 =	vshll.u32 v6, $0x3;
	v4 =	vshll.u32 v4, $0x7;
	v1 =	vsel vm1, $0xFFFFFFFF, v60  }
0x11: {  	v5 =	vsel vm1, $0xFFFFFFFF, v5;
	v6 =	vand.u32 $0x7F, v6;
	v7 =	vmul.u32 $0x60000, v7  }
0x12: {  	v58 =	vand.u32 $0xFFFFFC00, v57;
	v4 =	vand.u32 $0x380, v4;
	v61 =	vshrl.u32 v1, $0x3  }
0x13: {  	v62 =	vshll.u32 v5, $0x3;
	v3 =	vadd.s32 v7, v58;
	v7 =	vmul.u32 $0x60000, v61  }
0x14: {  	v1 =	vshll.u32 v1, $0x7;
	v3 =	vor.u32 v4, v3;
	v4 =	vand.u32 $0xFFFFFC00, v62  }
0x15: {  	v1 =	vand.u32 $0x380, v1;
	v3 =	vor.u32 v6, v3;
	v4 =	vadd.s32 v7, v4  }
0x16: {  	[tilespmem:s16], [sflag:$0x1] =	stream.indirect_vreg.gather [hbm4b:s3+s10], $0x1, v0, vm0, $0x4038;
	v63 =	vand.u32 $0x7F, v5;
	v1 =	vor.u32 v1, v4;
	[tilespmem:$0x200] =	vst v63  }
0x17: {  	s15 =	sadd.s32 $0x10, s15;
	(ifvalue) =	ssetifvalue $0x7FFFFFFF;
	v0 =	vor.u32 v63, v1  }
0x18: {  	[tilespmem:s15], [sflag:$0x1] =	stream.indirect_vreg.gather [hbm4b:s3+s10], $0x1, v2, vm0, $0x4038;
	[tilespmem:$0x200] =	vst v63  }
0x19: {  	s15 =	sadd.s32 $0x10, s15;
	(ifvalue) =	ssetifvalue $0x7FFFFFFF  }
0x1a: {  	[tilespmem:s15], [sflag:$0x1] =	stream.indirect_vreg.gather [hbm4b:s3+s10], $0x1, v3, vm0, $0x4038;
	[tilespmem:$0x200] =	vst v63  }
0x1b: {  	s15 =	sadd.s32 $0x10, s15;
	(ifvalue) =	ssetifvalue $0x7FFFFFFF  }
0x1c: {  	[tilespmem:s15], [sflag:$0x1] =	stream.indirect_vreg.gather [hbm4b:s3+s10], $0x1, v0, vm0, $0x4038;
	[tilespmem:$0x200] =	vst v63  }
0x1d: {  	_ =	swait.ge [sflag:s6], $0x80  }
0x1e: {  	s30 =	sshrl.u32 s13, $0x3;
	[sflag:s6] =	ssyncset.done $0x0  }
0x1f: {  	s31 =	sand.u32 $0x7, s13;
	s15 =	sadd.s32 s5, s30;
	[sflag:s6] =	ssyncadd.s32 $0xFFFFFF80  }
0x20: {  	[hbm4b:s15+s31] =	stream.linear.scatter [tilespmem:s14], [sflag:$0x3], $0x80, $0x38;
	[tilespmem:$0x200] =	vst v63  }
.LBB2_5:
0x21: {  	s15 =	sadd.s32 $0x1000, s11  }
0x22: {  	p2 =	sgt.s32 s15, $0x1FFF  }
0x23: {  	s15 =	smov.u32 @p2 s2;
	p2 =	sne.s32 s12, s9  }
.Ltmp1:
0x24: {  	p1 =	slt.u32 s12, $0x2;
	(pc) =	sbr.rel @!p2 .LBB2_6-.Ltmp1, $4  }
0x25: {  	s14 =	simm.s32 @!p1 $0x3  }
0x26: {  	s16 =	sadd.s32 $0x1, s12;
	_ =	swait.ge @!p1 [sflag:s14], $0x80  }
0x27: {  	s13 =	smov.u32 s11;
	p0 =	por !p0, !p0;
	[sflag:s14] =	ssyncset.done @!p1 $0x0  }
0x28: {  	s12 =	smov.u32 s16;
	s11 =	smov.u32 s15;
	[sflag:s14] =	ssyncadd.s32 @!p1 $0xFFFFFF80  }
.LBB2_1:
0x29: {  	p1 =	sge.u32 s12, s8  }
0x2a: {  	s14 =	sxor.u32 @!p1 $0xFFFFFFFF, s12  }
0x2b: {  	s31 =	sadd.s32 $0xFFFFFFFF, s12;
	s15 =	sshrl.u32 @!p1 s11, $0x3;
	s14 =	sshll.u32 @!p1 s14, $0x7  }
0x2c: {  	s16 =	sand.u32 @!p1 $0x7, s11;
	s15 =	sadd.s32 @!p1 s4, s15;
	s14 =	sand.u32 @!p1 $0x80, s14  }
0x2d: {  	[tilespmem:s14], [sflag:$0x2] =	stream.linear.gather @!p1 [hbm4b:s15+s16], $0x80, $0x38;
	[tilespmem:$0x200] =	vst v63  }
0x2e: {  	p1 =	sge.u32 s31, s8  }
.Ltmp2:
0x2f: {  	_ = 	snop;
	(pc) =	sbr.rel @p1 .LBB2_5-.Ltmp2, $1  }
0x30: {  	_ =	sdelay $0x3  }
0x31: {  	s14 =	simm.s32 $0x1  }
0x32: {  	_ =	swait.ge [sflag:s7], $0x80;
	s14 =	simm.s32 @!p0 $0x0  }
0x33: {  	[sflag:s7] =	ssyncset.done $0x0;
	s14 =	sshll.u32 s14, $0x7  }
0x34: {  	[sflag:s7] =	ssyncadd.s32 $0xFFFFFF80;
	(ifvalue) =	ssetifvalue $0x7FFFFFFF;
	v0 =	vld.msk [tilespmem:s14+$0x0 ss:$0x1], $0xffff  }
0x35: {  	s15 =	sadd.s32 $0x10, s14  }
0x36: {  	v1 =	vld.msk [tilespmem:s15+$0x0 ss:$0x1], $0xffff;
	_ =	sdelay $0x2  }
0x37: {  	v2 =	vshrl.u32 v0, $0x3  }
0x38: {  	vm1 =	veq.s32 v0, $0x80000000;
	v0 =	vand.u32 $0x7, v0;
	v2 =	vand.u32 $0xFFFF, v2  }
0x39: {  	v0 =	vsel vm1, $0xFFFFFFFF, v0;
	v6 =	vshrl.u32 v1, $0x3;
	v2 =	vsel vm1, $0xFFFFFFFF, v2  }
0x3a: {  	v3 =	vshrl.u32 v0, $0x3;
	v0 =	vshll.u32 v0, $0x7;
	vm1 =	veq.s32 v1, $0x80000000  }
0x3b: {  	s15 =	sadd.s32 $0x10, s15;
	v1 =	vand.u32 $0x7, v1;
	v4 =	vshll.u32 v2, $0x3;
	v3 =	vmul.u32 $0x60000, v3  }
0x3c: {  	v0 =	vand.u32 $0x380, v0;
	v7 =	vand.u32 $0x7F, v2;
	v5 =	vand.u32 $0xFFFFFC00, v4;
	v4 =	vld.msk [tilespmem:s15+$0x0 ss:$0x1], $0xffff  }
0x3d: {  	v1 =	vsel vm1, $0xFFFFFFFF, v1;
	v2 =	vadd.s32 v3, v5;
	v3 =	vand.u32 $0xFFFF, v6  }
0x3e: {  	v3 =	vsel vm1, $0xFFFFFFFF, v3;
	v0 =	vor.u32 v0, v2;
	v2 =	vshrl.u32 v1, $0x3  }
0x3f: {  	s16 =	sshll.u32 s12, $0x7;
	s18 =	simm.s32 $0x30;
	v1 =	vshll.u32 v1, $0x7;
	v5 =	vshll.u32 v3, $0x3;
	v8 =	vmul.u32 $0x60000, v2  }
0x40: {  	s31 =	sand.u32 $0x80, s16;
	s17 =	sadd.s32 $0x10, s15;
	s15 =	sor.u32 $0x100, s14;
	v2 =	vand.u32 $0x380, v1;
	v0 =	vor.u32 v7, v0;
	v5 =	vand.u32 $0xFFFFFC00, v5  }
0x41: {  	s14 =	sor.u32 $0x100, s31;
	s16 =	smov.u32 s15;
	v1 =	vld.msk [tilespmem:s17+$0x0 ss:$0x1], $0xffff;
	v3 =	vand.u32 $0x7F, v3;
	(ifvalue) =	ssetifvalue $0x7FFFFFFF;
	v6 =	vshrl.u32 v4, $0x3;
	v5 =	vadd.s32 v8, v5  }
.LBB2_3:
0x42: {  	s18 =	sadd.s32 $0x10, s18  }
0x43: {  	vm1 =	veq.s32 v4, $0x80000000;
	v4 =	vand.u32 $0x7, v4;
	v6 =	vand.u32 $0xFFFF, v6;
	s15 =	sadd.s32 $0x10, s15;
	p1 =	slt.u32 s18, $0x70  }
.Ltmp3:
0x44: {  	v5 =	vor.u32 v2, v5;
	v4 =	vsel vm1, $0xFFFFFFFF, v4;
	v7 =	vsel vm1, $0xFFFFFFFF, v6;
	(pc) =	sbr.rel @p1 .LBB2_3-.Ltmp3, $4  }
0x45: {  	v2 =	vshrl.u32 v4, $0x3;
	v6 =	vshll.u32 v7, $0x3;
	v4 =	vshll.u32 v4, $0x7;
	[tilespmem:s16], [sflag:$0x1] =	stream.indirect_vreg.gather [hbm4b:s3+s10], $0x1, v0, vm0, $0x4038;
	[tilespmem:$0x200] =	vst v63  }
0x46: {  	v0 =	vor.u32 v3, v5;
	s16 =	smov.u32 s15;
	v8 =	vmul.u32 $0x60000, v2;
	v2 =	vand.u32 $0x380, v4  }
0x47: {  	s17 =	sadd.s32 $0x10, s17;
	v9 =	vand.u32 $0xFFFFFC00, v6  }
0x48: {  	v3 =	vand.u32 $0x7F, v7;
	v6 =	vshrl.u32 v1, $0x3;
	v5 =	vadd.s32 v8, v9;
	(ifvalue) =	ssetifvalue $0x7FFFFFFF;
	v4 =	vmovc v1;
	v1 =	vld.msk [tilespmem:s17+$0x0 ss:$0x1], $0xffff  }
.Ltmp4:
0x49: {  	_ = 	snop;
	(pc) =	sbr.rel .LBB2_4-.Ltmp4, $1  }
0x4a: {  	_ =	sdelay $0x3  }
.LBB2_6:
0x4b: {  	_ =	sfence.sel $0x180000  }
0x4c: {  	s2 =	simm.s32 $0x2;
	[bflag:$0x0] =	sbarrier.arrive $0xFFFF  }
0x4d: {  	s30 =	simm.s32 $0x3;
	[sflag:s2] =	ssyncpa.u1 $0x1  }
0x4e: {  	s31 =	simm.s32 $0x1;
	[sflag:s30] =	ssyncpa.u1 $0x1  }
0x4f: {  	[sflag:s31] =	ssyncpa.u1 $0x1  }
0x50: {  	p0 =	sne.s32 s1, $0x0;
	_ =	strace $0x9000004A  }
0x51: {  	s0 =	sadd.s32 @!p0 $0x100000, s0;
	[bflag:$0x2] =	sbarrier.arrive $0xFFFF  }
0x52: {  	[sflag:s0] =	ssyncadd.tile.s32 @!p0 $0x1;
	_ =	shalt  }
.Lfunc_end2:
_tile_overlayer_lowered:
.L_overlay_start_2:
0x53: {  	(tag) =	ssettag $0x2  }
0x54: {  	s0 =	rddreg [dreg:$0x0];
	s2 =	stileid.u32  }
0x55: {  	s1 =	rddreg [dreg:$0x1];
	p0 =	sne.s32 s2, $0x0  }
0x56: {  	s3 =	rddreg [dreg:$0x2];
	[bflag:$0x3] =	sbarrier.arrive $0xFFFF;
	s2 =	simm.s32 @!p0 $0x1C01  }
0x57: {  	[timem:s3], [sflag:s2] =	dma.local @!p0 [hbm:s0], s1  }
0x58: {  	s0 =	simm.s32 @!p0 $0x1  }
0x59: {  	_ =	swait.ge @!p0 [sflag:s0], s1  }
0x5a: {  	s1 =	ssub.s32 @!p0 $0x0, s1;
	[sflag:s0] =	ssyncset.done @!p0 $0x0  }
0x5b: {  	[sflag:s0] =	ssyncadd.s32 @!p0 s1  }
0x5c: {  	[bflag:$0x3] =	sbarrier.arrive $0xFFFF  }
0x5d: {  	_ =	shalt  }

// kernel: gather_offload_async_start
scs
__scs_entry_jumppad:
0x0: {  	(pc) =	sbr.rel $0x88, $3  }
0x1: {  	(tag) =	ssettag $0x0;
	lr =	simm.s32 $0x1  }
0x2: {  	[smem:$0x3FA0] =	sst lr;
	_ =	strace $0xD0000000  }
0x3: {  	_ = 	snop  }
0x4: {  	_ = 	snop  }
0x5: {  	_ = 	snop  }
0x6: {  	_ = 	snop  }
0x7: {  	_ = 	snop  }
__scs_overlays_trampoline_lowered:
0x8: {  	[smem:$0x3FAF] =	sst s0  }
0x9: {  	[smem:$0x3FB0] =	sst s1  }
0xa: {  	[smem:$0x3FB1] =	sst s2  }
0xb: {  	[smem:$0x3FB2] =	sst s3  }
0xc: {  	[smem:$0x3FB3] =	sst s4  }
0xd: {  	[smem:$0x3FB4] =	sst s5  }
0xe: {  	[smem:$0x3FB5] =	sst s6  }
0xf: {  	[smem:$0x3FB6] =	sst s7  }
0x10: {  	[smem:$0x3FB7] =	sst s8  }
0x11: {  	[smem:$0x3FB8] =	sst s9;
	s0 =	simm.s32 @!p0 $0x0  }
0x12: {  	s1 =	sld [smem:$0x3F9E];
	s0 =	simm.s32 @p0 $0x1  }
0x13: {  	[smem:$0x3FB9] =	sst s0;
	s0 =	simm.s32 @!p1 $0x0  }
0x14: {  	s2 =	sld [smem:$0x3F9D];
	s0 =	simm.s32 @p1 $0x1  }
0x15: {  	[smem:$0x3FBA] =	sst s0;
	s0 =	simm.s32 @!p2 $0x0  }
0x16: {  	s3 =	sld [smem:$0x3FDB];
	s0 =	simm.s32 @p2 $0x1  }
0x17: {  	s4 =	simm.s32 $0x1BF5;
	[smem:$0x3FBC] =	sst s0  }
0x18: {  	s0 =	sld [smem:$0x3F9F];
	_ =	swait.ge [sflag:s4], $0x0  }
0x19: {  	s7 =	sld [smem:$0x3FA0]  }
0x1a: {  	s8 =	sadd.s32 $0xFFFFE003, lr  }
0x1b: {  	s9 =	sadd.s32 $0xFFFFFEF7, lr;
	s5 =	simm.s32 $0xFFFFFFFF;
	p2 =	slt.u32 s8, $0xFFFFF086  }
0x1c: {  	p1 =	slt.u32 s9, $0xF7A;
	s5 =	simm.s32 @!p2 $0x0  }
0x1d: {  	s5 =	simm.s32 @p1 $0x1;
	p0 =	seq.s32 s7, s2  }
0x1e: {  	s7 =	smul.u32 @!p0 $0xF7A, s2;
	p2 =	seq.s32 @!p0 s5, $0x0  }
0x1f: {  	s9 =	smul.u32 $0xF7A, s1;
	s8 =	simm.s32 @!p0 $0x1BF5;
	p2 =	por !p2, p0  }
0x20: {  	[sflag:s8] =	ssyncset.s32 @!p0 $0xFFFFF086;
	s6 =	sadd.s32 @!p0 s3, s7;
	s7 =	simm.s32 @!p0 $0x108  }
0x21: {  	s3 =	sadd.s32 s3, s9;
	s6 =	sadd.s32 @!p0 $0x88, s6;
	s7 =	simm.s32 @p2 $0x1082  }
0x22: {  	[simem:s7], [sflag:s8] =	dma.local @!p0 [hbm:s6], $0xF7A  }
0x23: {  	s9 =	sor.u32 $0xD0000000, s2;
	s6 =	simm.s32 $0x108;
	_ =	swait.ge @!p0 [sflag:s8], $0x0  }
0x24: {  	s3 =	sadd.s32 $0x88, s3;
	s6 =	simm.s32 @!p1 $0x1082;
	[sflag:s4] =	ssyncset.s32 $0xFFFFF086  }
0x25: {  	[simem:s6], [sflag:s4] =	dma.local [hbm:s3], $0xF7A  }
0x26: {  	[smem:$0x3FA0] =	sst s1;
	(tag) =	ssettag s2;
	_ =	strace s9  }
0x27: {  	s1 =	sld [smem:$0x3FB0]  }
0x28: {  	s2 =	sld [smem:$0x3FB1]  }
0x29: {  	s4 =	sld [smem:$0x3FB3]  }
0x2a: {  	p0 =	seq.s32 s5, $0x0;
	s5 =	sld [smem:$0x3FB4]  }
0x2b: {  	s6 =	sld [smem:$0x3FB5]  }
0x2c: {  	s7 =	sld [smem:$0x3FB6]  }
0x2d: {  	s3 =	simm.s32 $0x108;
	s8 =	sld [smem:$0x3FB7]  }
0x2e: {  	s3 =	simm.s32 @!p0 $0x1082;
	s9 =	sld [smem:$0x3FB8]  }
0x2f: {  	lr =	sadd.s32 s0, s3;
	s0 =	sld [smem:$0x3FAF]  }
0x30: {  	s3 =	sld [smem:$0x3FB2]  }
0x31: {  	[smem:$0x3FBB] =	sst s10  }
0x32: {  	s10 =	sld [smem:$0x3FB9];
	_ =	sdelay $0x3  }
0x33: {  	p0 =	seq.s32 s10, $0x1;
	s10 =	sld [smem:$0x3FBB];
	_ =	sdelay $0x3  }
0x34: {  	[smem:$0x3FBB] =	sst s10  }
0x35: {  	s10 =	sld [smem:$0x3FBA];
	_ =	sdelay $0x3  }
0x36: {  	p1 =	seq.s32 s10, $0x1;
	s10 =	sld [smem:$0x3FBB];
	_ =	sdelay $0x3  }
0x37: {  	[smem:$0x3FBB] =	sst s10  }
0x38: {  	s10 =	sld [smem:$0x3FBC]  }
0x39: {  	_ = 	snop;
	(pc) =	sbr.ind lr, $3  }
0x3a: {  	_ = 	snop  }
0x3b: {  	_ = 	snop  }
0x3c: {  	p2 =	seq.s32 s10, $0x1;
	s10 =	sld [smem:$0x3FBB]  }
0x3d: {  	_ =	shalt  }
0x3e: {  	_ =	shalt  }
0x3f: {  	_ =	shalt  }
0x40: {  	_ =	shalt  }
0x41: {  	_ =	shalt  }
0x42: {  	_ =	shalt  }
0x43: {  	_ =	shalt  }
0x44: {  	_ =	shalt  }
0x45: {  	_ =	shalt  }
0x46: {  	_ =	shalt  }
0x47: {  	_ =	shalt  }
0x48: {  	_ =	shalt  }
0x49: {  	_ =	shalt  }
0x4a: {  	_ =	shalt  }
0x4b: {  	_ =	shalt  }
0x4c: {  	_ =	shalt  }
0x4d: {  	_ =	shalt  }
0x4e: {  	_ =	shalt  }
0x4f: {  	_ =	shalt  }
0x50: {  	_ =	shalt  }
0x51: {  	_ =	shalt  }
0x52: {  	_ =	shalt  }
0x53: {  	_ =	shalt  }
0x54: {  	_ =	shalt  }
0x55: {  	_ =	shalt  }
0x56: {  	_ =	shalt  }
0x57: {  	_ =	shalt  }
0x58: {  	_ =	shalt  }
0x59: {  	_ =	shalt  }
0x5a: {  	_ =	shalt  }
0x5b: {  	_ =	shalt  }
0x5c: {  	_ =	shalt  }
0x5d: {  	_ =	shalt  }
0x5e: {  	_ =	shalt  }
0x5f: {  	_ =	shalt  }
0x60: {  	_ =	shalt  }
0x61: {  	_ =	shalt  }
0x62: {  	_ =	shalt  }
0x63: {  	_ =	shalt  }
0x64: {  	_ =	shalt  }
0x65: {  	_ =	shalt  }
0x66: {  	_ =	shalt  }
0x67: {  	_ =	shalt  }
0x68: {  	_ =	shalt  }
0x69: {  	_ =	shalt  }
0x6a: {  	_ =	shalt  }
0x6b: {  	_ =	shalt  }
0x6c: {  	_ =	shalt  }
0x6d: {  	_ =	shalt  }
0x6e: {  	_ =	shalt  }
0x6f: {  	_ =	shalt  }
0x70: {  	_ =	shalt  }
0x71: {  	_ =	shalt  }
0x72: {  	_ =	shalt  }
0x73: {  	_ =	shalt  }
0x74: {  	_ =	shalt  }
0x75: {  	_ =	shalt  }
0x76: {  	_ =	shalt  }
0x77: {  	_ =	shalt  }
0x78: {  	_ =	shalt  }
0x79: {  	_ =	shalt  }
0x7a: {  	_ =	shalt  }
0x7b: {  	_ =	shalt  }
0x7c: {  	_ =	shalt  }
0x7d: {  	_ =	shalt  }
0x7e: {  	_ =	shalt  }
0x7f: {  	_ =	shalt  }
0x80: {  	_ =	shalt  }
0x81: {  	_ =	shalt  }
0x82: {  	_ =	shalt  }
0x83: {  	_ =	shalt  }
0x84: {  	_ =	shalt  }
0x85: {  	_ =	shalt  }
0x86: {  	_ =	shalt  }
0x87: {  	_ =	shalt  }
.Lfunc_end0:
.L_simem_size_0:
called_computation_lowered:
.L_overlay_start_0:
0x88: {  	s2 =	sld [smem:$0x3FD9]  }
0x89: {  	s3 =	sld [smem:$0x3FFE];
	_ =	sdelay $0x1  }
0x8a: {  	s1 =	srdreg.scid  }
0x8b: {  	s0 =	sand.u32 $0x1, s1  }
0x8c: {  	s16 =	sshll.u32 s0, $0xA;
	s2 =	sadd.s32 s3, s2  }
0x8d: {  	s2 =	sadd.s32 s2, s16  }
0x8e: {  	[smem:$0x3FC7] =	sst s2  }
0x8f: {  	_ = 	snop  }
0x90: {  	(tm) =	ssettm $0x1  }
0x91: {  	s17 =	sld [smem:$0x3FFB];
	_ =	sdelay $0x3  }
0x92: {  	_ =	strace s17  }
0x93: {  	s2 =	sld [smem:$0x3FFC];
	_ =	sdelay $0x3  }
0x94: {  	_ =	strace s2  }
0x95: {  	s2 =	sld [smem:$0x3FFD];
	_ =	sdelay $0x3  }
0x96: {  	_ =	strace s2  }
0x97: {  	_ =	strace $0x8FFFFFFF  }
0x98: {  	s18 =	sld [smem:$0x3FDB];
	_ =	sdelay $0x1  }
0x99: {  	s19 =	simm.s32 $_scs_section_size  }
0x9a: {  	s4 =	simm.s32 $_size__tile_overlayer_lowered;
	s5 =	simm.s32 $_tile_overlayer_lowered  }
0x9b: {  	s22 =	simm.s32 $0x1BFF;
	s21 =	sshll.u32 s5, $0x1;
	s2 =	sadd.s32 s19, s18  }
0x9c: {  	s6 =	simm.s32 $0x0;
	s20 =	sshll.u32 s4, $0x1;
	s4 =	sadd.s32 s21, s2  }
0x9d: {  	[timem:s6], [sflag:s22] =	dma.local [hbm:s4], s20  }
0x9e: {  	_ =	swait.ge [sflag:s22], s20  }
0x9f: {  	s3 =	ssub.s32 $0x0, s20;
	[sflag:s22] =	ssyncset.done $0x0  }
0xa0: {  	[sflag:s22] =	ssyncadd.s32 s3;
	_ =	sdelay $0x1  }
0xa1: {  	s23 =	simm.s32 $0x1B8B  }
0xa2: {  	_ =	swait.ge [sflag:s23], $0x1  }
0xa3: {  	[sflag:s23] =	ssyncset.done $0x0  }
0xa4: {  	s25 =	simm.s32 $0x1B8E;
	s24 =	sld [smem:$0x3FFE];
	[sflag:s23] =	ssyncadd.s32 $0xFFFFFFFF  }
0xa5: {  	s26 =	simm.s32 $execute0_lowered;
	[smem:$0x3FD2] =	sst s25  }
0xa6: {  	s4 =	sshll.u32 s26, $0x1;
	_ =	strace $0x80000052;
	[dreg:$0x1] =	wrdreg $0xFFFFFFFF  }
0xa7: {  	s28 =	simm.s32 $_size_execute0_lowered;
	s2 =	sadd.s32 s2, s4;
	[dreg:$0x0] =	wrdreg $0x0  }
0xa8: {  	s4 =	sshll.u32 s28, $0x1;
	[dreg:$0x2] =	wrdreg s2  }
0xa9: {  	[dreg:$0x3] =	wrdreg s4  }
0xaa: {  	[dreg:$0x4] =	wrdreg $0xC0  }
0xab: {  	_ =	task [dreg:s6], $0x5FFFF  }
0xac: {  	[dreg:$0x1] =	wrdreg $0xFFFFFFFF  }
0xad: {  	[dreg:$0x0] =	wrdreg $0x60  }
0xae: {  	[dreg:$0x2] =	wrdreg s24  }
0xaf: {  	[dreg:$0x3] =	wrdreg $0x9  }
0xb0: {  	_ =	task.clear_ibuf [dreg:s6], $0x4FFFF;
	_ =	strace $0x90000052  }
0xb1: {  	s29 =	simm.s32 $0x9;
	_ =	strace $0x80000054  }
0xb2: {  	_ =	swait.ge [sflag:s29], $0x1  }
0xb3: {  	[sflag:s29] =	ssyncadd.s32 $0xFFFFFFFF  }
0xb4: {  	_ =	strace $0x90000054  }
0xb5: {  	_ =	sfence  }
0xb6: {  	s30 =	sld [smem:$0x0];
	_ =	sdelay $0x2  }
0xb7: {  	s31 =	sshll.u32 s1, $0xD;
	s1 =	sshrl.u32 s1, $0x2  }
0xb8: {  	s3 =	sand.u32 $0x4000, s31;
	s1 =	sadd.s32 s1, s30  }
0xb9: {  	s0 =	sor.u32 s3, s0;
	s1 =	sshll.u32 s1, $0x11  }
0xba: {  	s0 =	sor.u32 s1, s0  }
0xbb: {  	s0 =	sadd.s32 $0x8F2B, s0  }
0xbc: {  	[sflag:s0] =	ssyncadd.remote.s32 $0x1  }
0xbd: {  	_ =	sfence.sel $0xFFFF  }
0xbe: {  	[dreg:$0x0] =	wrdreg $0xFFFFFFFF;
	(pc) =	sbr.abs _section_cstart, $3  }
0xbf: {  	[dreg:$0x1] =	wrdreg $0xFFFFFFFF  }
0xc0: {  	_ =	task.clear_ibuf [dreg:s6], $0x2FFFF;
	_ =	strace $0x9FFFFFFF  }
0xc1: {  	(tm) =	ssettm $0x7FFFFFFF  }
tec
execute0_lowered:
.L_overlay_start_1:
0x0: {  	(tag) =	ssettag $0x1  }
0x1: {  	s0 =	srdreg.scid;
	s5 =	rddreg [dreg:$0x0]  }
0x2: {  	s1 =	stileid.u32;
	s6 =	simm.s32 $0x1;
	s9 =	simm.s32 $0x1  }
0x3: {  	s10 =	simm.s32 $0x3;
	s13 =	simm.s32 $0x0;
	s2 =	sshll.u32 s0, $0x7  }
0x4: {  	s12 =	simm.s32 $0x0;
	s3 =	sshll.u32 s1, $0x8;
	s2 =	sand.u32 $0x80, s2  }
0x5: {  	s0 =	rddreg [dreg:$0x1];
	_ =	strace $0x80000053;
	s2 =	sor.u32 s3, s2  }
0x6: {  	s4 =	sadd.s32 $0x5400, s5;
	[sflag:s6] =	ssyncpa.u1 $0x0;
	s8 =	ssub.s32 $0x2000, s2  }
.Ltmp0:
0x7: {  	s3 =	sadd.s32 $0x1DE00, s5;
	s7 =	sand.u32 $0xF80, s8;
	(pc) =	sbr.rel .LBB2_1-.Ltmp0, $4  }
0x8: {  	s5 =	sadd.s32 $0x5800, s5;
	s11 =	smov.u32 s2;
	p0 =	sne.s32 s7, $0x0  }
0x9: {  	s8 =	sshrl.u32 s8, $0xC;
	s7 =	simm.s32 $0x2;
	s9 =	simm.s32 @!p0 $0x0  }
0xa: {  	[sflag:s7] =	ssyncpa.u1 $0x0;
	p0 =	por $0x0, $0x0;
	s8 =	sadd.s32 s9, s8  }
0xb: {  	vm0 =	vmmov $0xffff;
	[sflag:s10] =	ssyncpa.u1 $0x0;
	s10 =	simm.s32 $0x0;
	s9 =	sadd.s32 $0x1, s8  }
.LBB2_4:
0xc: {  	vm1 =	veq.s32 v4, $0x80000000;
	v56 =	vand.u32 $0x7, v4;
	v6 =	vand.u32 $0xFFFF, v6  }
0xd: {  	v2 =	vor.u32 v2, v5;
	v59 =	vshrl.u32 v1, $0x3;
	v60 =	vand.u32 $0x7, v1  }
0xe: {  	v4 =	vsel vm1, $0xFFFFFFFF, v56;
	v6 =	vsel vm1, $0xFFFFFFFF, v6;
	v2 =	vor.u32 v3, v2  }
0xf: {  	vm1 =	veq.s32 v1, $0x80000000;
	v5 =	vand.u32 $0xFFFF, v59;
	v7 =	vshrl.u32 v4, $0x3  }
0x10: {  	v57 =	vshll.u32 v6, $0x3;
	v4 =	vshll.u32 v4, $0x7;
	v1 =	vsel vm1, $0xFFFFFFFF, v60  }
0x11: {  	v5 =	vsel vm1, $0xFFFFFFFF, v5;
	v6 =	vand.u32 $0x7F, v6;
	v7 =	vmul.u32 $0x60000, v7  }
0x12: {  	v58 =	vand.u32 $0xFFFFFC00, v57;
	v4 =	vand.u32 $0x380, v4;
	v61 =	vshrl.u32 v1, $0x3  }
0x13: {  	v62 =	vshll.u32 v5, $0x3;
	v3 =	vadd.s32 v7, v58;
	v7 =	vmul.u32 $0x60000, v61  }
0x14: {  	v1 =	vshll.u32 v1, $0x7;
	v3 =	vor.u32 v4, v3;
	v4 =	vand.u32 $0xFFFFFC00, v62  }
0x15: {  	v1 =	vand.u32 $0x380, v1;
	v3 =	vor.u32 v6, v3;
	v4 =	vadd.s32 v7, v4  }
0x16: {  	[tilespmem:s16], [sflag:$0x1] =	stream.indirect_vreg.gather [hbm4b:s3+s10], $0x1, v0, vm0, $0x4038;
	v63 =	vand.u32 $0x7F, v5;
	v1 =	vor.u32 v1, v4;
	[tilespmem:$0x200] =	vst v63  }
0x17: {  	s15 =	sadd.s32 $0x10, s15;
	(ifvalue) =	ssetifvalue $0x7FFFFFFF;
	v0 =	vor.u32 v63, v1  }
0x18: {  	[tilespmem:s15], [sflag:$0x1] =	stream.indirect_vreg.gather [hbm4b:s3+s10], $0x1, v2, vm0, $0x4038;
	[tilespmem:$0x200] =	vst v63  }
0x19: {  	s15 =	sadd.s32 $0x10, s15;
	(ifvalue) =	ssetifvalue $0x7FFFFFFF  }
0x1a: {  	[tilespmem:s15], [sflag:$0x1] =	stream.indirect_vreg.gather [hbm4b:s3+s10], $0x1, v3, vm0, $0x4038;
	[tilespmem:$0x200] =	vst v63  }
0x1b: {  	s15 =	sadd.s32 $0x10, s15;
	(ifvalue) =	ssetifvalue $0x7FFFFFFF  }
0x1c: {  	[tilespmem:s15], [sflag:$0x1] =	stream.indirect_vreg.gather [hbm4b:s3+s10], $0x1, v0, vm0, $0x4038;
	[tilespmem:$0x200] =	vst v63  }
0x1d: {  	_ =	swait.ge [sflag:s6], $0x80  }
0x1e: {  	s30 =	sshrl.u32 s13, $0x3;
	[sflag:s6] =	ssyncset.done $0x0  }
0x1f: {  	s31 =	sand.u32 $0x7, s13;
	s15 =	sadd.s32 s5, s30;
	[sflag:s6] =	ssyncadd.s32 $0xFFFFFF80  }
0x20: {  	[hbm4b:s15+s31] =	stream.linear.scatter [tilespmem:s14], [sflag:$0x3], $0x80, $0x38;
	[tilespmem:$0x200] =	vst v63  }
.LBB2_5:
0x21: {  	s15 =	sadd.s32 $0x1000, s11  }
0x22: {  	p2 =	sgt.s32 s15, $0x1FFF  }
0x23: {  	s15 =	smov.u32 @p2 s2;
	p2 =	sne.s32 s12, s9  }
.Ltmp1:
0x24: {  	p1 =	slt.u32 s12, $0x2;
	(pc) =	sbr.rel @!p2 .LBB2_6-.Ltmp1, $4  }
0x25: {  	s14 =	simm.s32 @!p1 $0x3  }
0x26: {  	s16 =	sadd.s32 $0x1, s12;
	_ =	swait.ge @!p1 [sflag:s14], $0x80  }
0x27: {  	s13 =	smov.u32 s11;
	p0 =	por !p0, !p0;
	[sflag:s14] =	ssyncset.done @!p1 $0x0  }
0x28: {  	s12 =	smov.u32 s16;
	s11 =	smov.u32 s15;
	[sflag:s14] =	ssyncadd.s32 @!p1 $0xFFFFFF80  }
.LBB2_1:
0x29: {  	p1 =	sge.u32 s12, s8  }
0x2a: {  	s14 =	sxor.u32 @!p1 $0xFFFFFFFF, s12  }
0x2b: {  	s31 =	sadd.s32 $0xFFFFFFFF, s12;
	s15 =	sshrl.u32 @!p1 s11, $0x3;
	s14 =	sshll.u32 @!p1 s14, $0x7  }
0x2c: {  	s16 =	sand.u32 @!p1 $0x7, s11;
	s15 =	sadd.s32 @!p1 s4, s15;
	s14 =	sand.u32 @!p1 $0x80, s14  }
0x2d: {  	[tilespmem:s14], [sflag:$0x2] =	stream.linear.gather @!p1 [hbm4b:s15+s16], $0x80, $0x38;
	[tilespmem:$0x200] =	vst v63  }
0x2e: {  	p1 =	sge.u32 s31, s8  }
.Ltmp2:
0x2f: {  	_ = 	snop;
	(pc) =	sbr.rel @p1 .LBB2_5-.Ltmp2, $1  }
0x30: {  	_ =	sdelay $0x3  }
0x31: {  	s14 =	simm.s32 $0x1  }
0x32: {  	_ =	swait.ge [sflag:s7], $0x80;
	s14 =	simm.s32 @!p0 $0x0  }
0x33: {  	[sflag:s7] =	ssyncset.done $0x0;
	s14 =	sshll.u32 s14, $0x7  }
0x34: {  	[sflag:s7] =	ssyncadd.s32 $0xFFFFFF80;
	(ifvalue) =	ssetifvalue $0x7FFFFFFF;
	v0 =	vld.msk [tilespmem:s14+$0x0 ss:$0x1], $0xffff  }
0x35: {  	s15 =	sadd.s32 $0x10, s14  }
0x36: {  	v1 =	vld.msk [tilespmem:s15+$0x0 ss:$0x1], $0xffff;
	_ =	sdelay $0x2  }
0x37: {  	v2 =	vshrl.u32 v0, $0x3  }
0x38: {  	vm1 =	veq.s32 v0, $0x80000000;
	v0 =	vand.u32 $0x7, v0;
	v2 =	vand.u32 $0xFFFF, v2  }
0x39: {  	v0 =	vsel vm1, $0xFFFFFFFF, v0;
	v6 =	vshrl.u32 v1, $0x3;
	v2 =	vsel vm1, $0xFFFFFFFF, v2  }
0x3a: {  	v3 =	vshrl.u32 v0, $0x3;
	v0 =	vshll.u32 v0, $0x7;
	vm1 =	veq.s32 v1, $0x80000000  }
0x3b: {  	s15 =	sadd.s32 $0x10, s15;
	v1 =	vand.u32 $0x7, v1;
	v4 =	vshll.u32 v2, $0x3;
	v3 =	vmul.u32 $0x60000, v3  }
0x3c: {  	v0 =	vand.u32 $0x380, v0;
	v7 =	vand.u32 $0x7F, v2;
	v5 =	vand.u32 $0xFFFFFC00, v4;
	v4 =	vld.msk [tilespmem:s15+$0x0 ss:$0x1], $0xffff  }
0x3d: {  	v1 =	vsel vm1, $0xFFFFFFFF, v1;
	v2 =	vadd.s32 v3, v5;
	v3 =	vand.u32 $0xFFFF, v6  }
0x3e: {  	v3 =	vsel vm1, $0xFFFFFFFF, v3;
	v0 =	vor.u32 v0, v2;
	v2 =	vshrl.u32 v1, $0x3  }
0x3f: {  	s16 =	sshll.u32 s12, $0x7;
	s18 =	simm.s32 $0x30;
	v1 =	vshll.u32 v1, $0x7;
	v5 =	vshll.u32 v3, $0x3;
	v8 =	vmul.u32 $0x60000, v2  }
0x40: {  	s31 =	sand.u32 $0x80, s16;
	s17 =	sadd.s32 $0x10, s15;
	s15 =	sor.u32 $0x100, s14;
	v2 =	vand.u32 $0x380, v1;
	v0 =	vor.u32 v7, v0;
	v5 =	vand.u32 $0xFFFFFC00, v5  }
0x41: {  	s14 =	sor.u32 $0x100, s31;
	s16 =	smov.u32 s15;
	v1 =	vld.msk [tilespmem:s17+$0x0 ss:$0x1], $0xffff;
	v3 =	vand.u32 $0x7F, v3;
	(ifvalue) =	ssetifvalue $0x7FFFFFFF;
	v6 =	vshrl.u32 v4, $0x3;
	v5 =	vadd.s32 v8, v5  }
.LBB2_3:
0x42: {  	s18 =	sadd.s32 $0x10, s18  }
0x43: {  	vm1 =	veq.s32 v4, $0x80000000;
	v4 =	vand.u32 $0x7, v4;
	v6 =	vand.u32 $0xFFFF, v6;
	s15 =	sadd.s32 $0x10, s15;
	p1 =	slt.u32 s18, $0x70  }
.Ltmp3:
0x44: {  	v5 =	vor.u32 v2, v5;
	v4 =	vsel vm1, $0xFFFFFFFF, v4;
	v7 =	vsel vm1, $0xFFFFFFFF, v6;
	(pc) =	sbr.rel @p1 .LBB2_3-.Ltmp3, $4  }
0x45: {  	v2 =	vshrl.u32 v4, $0x3;
	v6 =	vshll.u32 v7, $0x3;
	v4 =	vshll.u32 v4, $0x7;
	[tilespmem:s16], [sflag:$0x1] =	stream.indirect_vreg.gather [hbm4b:s3+s10], $0x1, v0, vm0, $0x4038;
	[tilespmem:$0x200] =	vst v63  }
0x46: {  	v0 =	vor.u32 v3, v5;
	s16 =	smov.u32 s15;
	v8 =	vmul.u32 $0x60000, v2;
	v2 =	vand.u32 $0x380, v4  }
0x47: {  	s17 =	sadd.s32 $0x10, s17;
	v9 =	vand.u32 $0xFFFFFC00, v6  }
0x48: {  	v3 =	vand.u32 $0x7F, v7;
	v6 =	vshrl.u32 v1, $0x3;
	v5 =	vadd.s32 v8, v9;
	(ifvalue) =	ssetifvalue $0x7FFFFFFF;
	v4 =	vmovc v1;
	v1 =	vld.msk [tilespmem:s17+$0x0 ss:$0x1], $0xffff  }
.Ltmp4:
0x49: {  	_ = 	snop;
	(pc) =	sbr.rel .LBB2_4-.Ltmp4, $1  }
0x4a: {  	_ =	sdelay $0x3  }
.LBB2_6:
0x4b: {  	_ =	sfence.sel $0x180000  }
0x4c: {  	s2 =	simm.s32 $0x2;
	[bflag:$0x0] =	sbarrier.arrive $0xFFFF  }
0x4d: {  	s30 =	simm.s32 $0x3;
	[sflag:s2] =	ssyncpa.u1 $0x1  }
0x4e: {  	s31 =	simm.s32 $0x1;
	[sflag:s30] =	ssyncpa.u1 $0x1  }
0x4f: {  	[sflag:s31] =	ssyncpa.u1 $0x1  }
0x50: {  	p0 =	sne.s32 s1, $0x0;
	_ =	strace $0x90000053  }
0x51: {  	s0 =	sadd.s32 @!p0 $0x100000, s0;
	[bflag:$0x2] =	sbarrier.arrive $0xFFFF  }
0x52: {  	[sflag:s0] =	ssyncadd.tile.s32 @!p0 $0x1;
	_ =	shalt  }
.Lfunc_end2:
_tile_overlayer_lowered:
.L_overlay_start_2:
0x53: {  	(tag) =	ssettag $0x2  }
0x54: {  	s0 =	rddreg [dreg:$0x0];
	s2 =	stileid.u32  }
0x55: {  	s1 =	rddreg [dreg:$0x1];
	p0 =	sne.s32 s2, $0x0  }
0x56: {  	s3 =	rddreg [dreg:$0x2];
	[bflag:$0x3] =	sbarrier.arrive $0xFFFF;
	s2 =	simm.s32 @!p0 $0x1C01  }
0x57: {  	[timem:s3], [sflag:s2] =	dma.local @!p0 [hbm:s0], s1  }
0x58: {  	s0 =	simm.s32 @!p0 $0x1  }
0x59: {  	_ =	swait.ge @!p0 [sflag:s0], s1  }
0x5a: {  	s1 =	ssub.s32 @!p0 $0x0, s1;
	[sflag:s0] =	ssyncset.done @!p0 $0x0  }
0x5b: {  	[sflag:s0] =	ssyncadd.s32 @!p0 s1  }
0x5c: {  	[bflag:$0x3] =	sbarrier.arrive $0xFFFF  }
0x5d: {  	_ =	shalt  }

</sc_bundles>
